<compile_context>
chip_gen: v7x
topology: tpu7x:2x2x1
jax: 0.10.2.dev20260603
libtpu: 0.0.44.dev20260713+nightly
codegen_flags: <defaults>
</compile_context>

<pallas_src>
import functools

import jax
import jax.numpy as jnp
from jax import lax
from jax.experimental import pallas as pl
from jax.experimental.pallas import tpu as pltpu
from jax.experimental.pallas import tpu_sc as plsc

H = 512
W = 512
GH, GW = 4, 4
TH, TW = H // GH, W // GW
NBINS = 256
PIXELS = TH * TW
CLIP = 96.0
SCALE = (NBINS - 1.0) / PIXELS
RH, RW = 128, 64
NW = 32

_mesh = plsc.VectorSubcoreMesh(core_axis_name="c", subcore_axis_name="s")


def _region_origin():
    c = lax.axis_index("c")
    s = lax.axis_index("s")
    w = c * 16 + s
    t = w // 2
    half = w % 2
    r0 = (t // GW) * TH
    c0 = (t % GW) * TW + half * RW
    return w, r0, c0


def _floor_f32(x):
    ti = x.astype(jnp.int32)
    tf = ti.astype(jnp.float32)
    ti = jnp.where(tf > x, ti - 1, ti)
    return ti


@functools.partial(
    pl.kernel,
    out_type=jax.ShapeDtypeStruct((NW, NBINS), jnp.float32),
    mesh=_mesh,
    compiler_params=pltpu.CompilerParams(use_tc_tiling_on_sc=False, needs_layout_passes=False),
    scratch_types=[
        pltpu.VMEM((RH, RW * 3), jnp.float32),
        pltpu.VMEM((16, NBINS), jnp.float32),
        pltpu.VMEM((NBINS,), jnp.float32),
    ],
)
def _hist_kernel(img_hbm, part_hbm, rgb_v, h16_v, hist_v):
    w, r0, c0 = _region_origin()
    pltpu.sync_copy(img_hbm.at[pl.ds(r0, RH), pl.ds(c0 * 3, RW * 3)], rgb_v)

    zero16 = jnp.zeros((16,), jnp.float32)

    def zrow(h, _):
        def zcol(j, _):
            h16_v[h, pl.ds(j * 16, 16)] = zero16
            return 0
        return lax.fori_loop(0, 16, zcol, 0)

    lax.fori_loop(0, 16, zrow, 0)

    lanes = lax.broadcasted_iota(jnp.int32, (16,), 0)
    ones = jnp.ones((16,), jnp.float32)

    def row_body(r, _):
        rows = jnp.full((16,), r, jnp.int32)
        for g in range(4):
            colsx3 = (g * 16 + lanes) * 3
            rv = plsc.load_gather(rgb_v, [rows, colsx3])
            gv = plsc.load_gather(rgb_v, [rows, colsx3 + 1])
            bv = plsc.load_gather(rgb_v, [rows, colsx3 + 2])
            v = jnp.maximum(jnp.maximum(rv, gv), bv) / 255.0
            b = jnp.clip((v * 255.0).astype(jnp.int32), 0, NBINS - 1)
            plsc.addupdate_scatter(h16_v, [lanes, b], ones)
        return 0

    lax.fori_loop(0, RH, row_body, 0)

    def red(j, _):
        acc = zero16
        for h in range(16):
            acc = acc + h16_v[h, pl.ds(j * 16, 16)]
        hist_v[pl.ds(j * 16, 16)] = acc
        return 0

    lax.fori_loop(0, 16, red, 0)
    pltpu.sync_copy(hist_v, part_hbm.at[w])


@functools.partial(
    pl.kernel,
    out_type=jax.ShapeDtypeStruct((H, W * 3), jnp.float32),
    mesh=_mesh,
    compiler_params=pltpu.CompilerParams(use_tc_tiling_on_sc=False, needs_layout_passes=False),
    scratch_types=[
        pltpu.VMEM((RH, RW * 3), jnp.float32),
        pltpu.VMEM((RH, RW * 3), jnp.float32),
        pltpu.VMEM((NW, NBINS), jnp.float32),
        pltpu.VMEM((GH * GW * NBINS,), jnp.float32),
    ],
)
def _apply_kernel(img_hbm, part_hbm, out_hbm, rgb_v, out_v, parts_v, luts_v):
    w, r0, c0 = _region_origin()
    pltpu.sync_copy(part_hbm, parts_v)
    pltpu.sync_copy(img_hbm.at[pl.ds(r0, RH), pl.ds(c0 * 3, RW * 3)], rgb_v)

    def lut_tile(t, _):
        def sum_chunk(j, tot):
            hc = parts_v[2 * t, pl.ds(j * 16, 16)] + parts_v[2 * t + 1, pl.ds(j * 16, 16)]
            return tot + jnp.sum(jnp.minimum(hc, CLIP))

        total = lax.fori_loop(0, 16, sum_chunk, 0.0)
        epb = (float(PIXELS) - total) * (1.0 / NBINS)

        def cum_chunk(j, carry):
            hc = parts_v[2 * t, pl.ds(j * 16, 16)] + parts_v[2 * t + 1, pl.ds(j * 16, 16)]
            hc = jnp.minimum(hc, CLIP) + epb
            cs = plsc.cumsum(hc) + carry
            lut = (cs * SCALE).astype(jnp.int32).astype(jnp.float32)
            lut = jnp.clip(lut, 0.0, NBINS - 1.0)
            luts_v[pl.ds(t * NBINS + j * 16, 16)] = lut
            return carry + jnp.sum(hc)

        lax.fori_loop(0, 16, cum_chunk, 0.0)
        return 0

    lax.fori_loop(0, GH * GW, lut_tile, 0)

    lanes = lax.broadcasted_iota(jnp.int32, (16,), 0)

    xparams = []
    for g in range(4):
        cabs = (c0 + g * 16 + lanes).astype(jnp.float32)
        tx = (cabs + 0.5) * (1.0 / TW) - 0.5
        x0f = _floor_f32(tx)
        wx = tx - x0f.astype(jnp.float32)
        x0 = jnp.clip(x0f, 0, GW - 1)
        x1 = jnp.clip(x0f + 1, 0, GW - 1)
        xparams.append((x0 * NBINS, x1 * NBINS, wx, 1.0 - wx))

    def row_body(r, _):
        rows = jnp.full((16,), r, jnp.int32)
        ty = (r.astype(jnp.float32) + 0.5) * (1.0 / TH) - 0.5
        y0f = _floor_f32(ty)
        wy = ty - y0f.astype(jnp.float32)
        omwy = 1.0 - wy
        y0b = jnp.clip(y0f, 0, GH - 1) * (GW * NBINS)
        y1b = jnp.clip(y0f + 1, 0, GH - 1) * (GW * NBINS)
        for g in range(4):
            x0b, x1b, wx, omwx = xparams[g]
            colsx3 = (g * 16 + lanes) * 3
            rv = plsc.load_gather(rgb_v, [rows, colsx3])
            gv = plsc.load_gather(rgb_v, [rows, colsx3 + 1])
            bv = plsc.load_gather(rgb_v, [rows, colsx3 + 2])
            v = jnp.maximum(jnp.maximum(rv, gv), bv) / 255.0
            b = jnp.clip((v * 255.0).astype(jnp.int32), 0, NBINS - 1)
            v00 = plsc.load_gather(luts_v, [y0b + x0b + b])
            v01 = plsc.load_gather(luts_v, [y0b + x1b + b])
            v10 = plsc.load_gather(luts_v, [y1b + x0b + b])
            v11 = plsc.load_gather(luts_v, [y1b + x1b + b])
            blend = (omwy * omwx * v00 + omwy * wx * v01
                     + wy * omwx * v10 + wy * wx * v11)
            vnew = blend / (NBINS - 1.0)
            pos = v > 0.0
            ratio = jnp.where(pos, vnew / v, 0.0) * (1.0 / 255.0)
            plsc.store_scatter(out_v, [rows, colsx3],
                               jnp.where(pos, rv * ratio, vnew))
            plsc.store_scatter(out_v, [rows, colsx3 + 1],
                               jnp.where(pos, gv * ratio, vnew))
            plsc.store_scatter(out_v, [rows, colsx3 + 2],
                               jnp.where(pos, bv * ratio, vnew))
        return 0

    lax.fori_loop(0, RH, row_body, 0)
    pltpu.sync_copy(out_v, out_hbm.at[pl.ds(r0, RH), pl.ds(c0 * 3, RW * 3)])


def kernel(image):
    img2 = image.reshape(H, W * 3)
    parts = _hist_kernel(img2)
    out2 = _apply_kernel(img2, parts)
    return out2.reshape(H, W, 3)

# --- scband reference (transcript-rebuilt; emitter-appended) ---
"""Pipeline reference for scband-clahe-35390530519669 (READ-ONLY COPY).

The authoritative reference and input builder live on the scoring server;
editing this copy changes nothing except your own understanding.
"""

import jax, jax.numpy as jnp
import numpy as np


def rgb_to_hsv(image, eps=1e-8):
    r, g, b = image[0], image[1], image[2]
    maxc = jnp.max(image, axis=0)
    argmaxc = jnp.argmax(image, axis=0)
    minc = jnp.min(image, axis=0)
    v = maxc
    deltac = maxc - minc
    s = deltac / (v + eps)
    deltac_safe = jnp.where(deltac == 0, jnp.ones_like(deltac), deltac)
    rc = (maxc - r) / deltac_safe
    gc = (maxc - g) / deltac_safe
    bc = (maxc - b) / deltac_safe
    h1 = bc - gc
    h2 = 2.0 + rc - bc
    h3 = 4.0 + gc - rc
    h = jnp.where(argmaxc == 0, h1, jnp.where(argmaxc == 1, h2, h3))
    h = (h / 6.0) % 1.0
    h = h * (2.0 * jnp.pi)
    return jnp.stack([h, s, v], axis=0)


def hsv_to_rgb(image):
    h = image[0] / (2.0 * jnp.pi)
    s = image[1]
    v = image[2]
    h6 = h * 6.0
    hi = jnp.floor(h6) % 6.0
    f = (h6 % 6.0) - hi
    p = v * (1.0 - s)
    q = v * (1.0 - f * s)
    t = v * (1.0 - (1.0 - f) * s)
    hii = hi.astype(jnp.int32)
    conds = [hii == 0, hii == 1, hii == 2, hii == 3, hii == 4, hii == 5]
    r = jnp.select(conds, [v, q, p, p, t, v])
    g = jnp.select(conds, [t, v, v, q, p, p])
    b = jnp.select(conds, [p, p, t, v, v, q])
    return jnp.stack([r, g, b], axis=0)


def equalize_clahe(V, clip_limit=1.5, grid_size=(4, 4), num_bins=256):
    H, W = V.shape
    GH, GW = grid_size
    TH, TW = H // GH, W // GW
    ntiles = GH * GW
    pixels = TH * TW
    tiles = V.reshape(GH, TH, GW, TW).transpose(0, 2, 1, 3).reshape(ntiles, pixels)
    bins = jnp.clip((tiles * (num_bins - 1.0)).astype(jnp.int32), 0, num_bins - 1)
    # per-tile histogram via scatter-add
    hist = jnp.zeros((ntiles, num_bins), dtype=jnp.float32).at[
        jnp.arange(ntiles)[:, None], bins
    ].add(1.0)
    # clip histogram and redistribute excess uniformly
    max_val = max(clip_limit * pixels // num_bins, 1.0)
    clipped = jnp.minimum(hist, max_val)
    excess = pixels - clipped.sum(axis=1, keepdims=True)
    hist = clipped + excess / num_bins
    # per-tile LUT from cdf
    lut = jnp.clip(
        jnp.floor(jnp.cumsum(hist, axis=1) * ((num_bins - 1.0) / pixels)),
        0,
        num_bins - 1,
    )  # [ntiles, num_bins]
    # bilinear interpolation between neighboring tile LUTs
    bin_img = jnp.clip((V * (num_bins - 1.0)).astype(jnp.int32), 0, num_bins - 1)
    ty = (jnp.arange(H) + 0.5) / TH - 0.5
    tx = (jnp.arange(W) + 0.5) / TW - 0.5
    y0f = jnp.floor(ty)
    x0f = jnp.floor(tx)
    wy = (ty - y0f)[:, None]
    wx = (tx - x0f)[None, :]
    y0 = jnp.clip(y0f, 0, GH - 1).astype(jnp.int32)
    y1 = jnp.clip(y0f + 1, 0, GH - 1).astype(jnp.int32)
    x0 = jnp.clip(x0f, 0, GW - 1).astype(jnp.int32)
    x1 = jnp.clip(x0f + 1, 0, GW - 1).astype(jnp.int32)
    t00 = y0[:, None] * GW + x0[None, :]
    t01 = y0[:, None] * GW + x1[None, :]
    t10 = y1[:, None] * GW + x0[None, :]
    t11 = y1[:, None] * GW + x1[None, :]
    v00 = lut[t00, bin_img]
    v01 = lut[t01, bin_img]
    v10 = lut[t10, bin_img]
    v11 = lut[t11, bin_img]
    out = (
        (1.0 - wy) * (1.0 - wx) * v00
        + (1.0 - wy) * wx * v01
        + wy * (1.0 - wx) * v10
        + wy * wx * v11
    )
    return out / (num_bins - 1.0)


def setup_inputs(seed: int = 0) -> dict:
    key = jax.random.key(seed)
    image = jax.random.uniform(key, (512, 512, 3), dtype=jnp.float32, minval=0.0, maxval=255.0)
    return {"image": image}


def reference(image):
    img = image / 255.0
    img = jnp.transpose(img, (2, 0, 1))
    hsv = rgb_to_hsv(img, eps=1e-8)
    hsv = hsv.at[2].set(equalize_clahe(hsv[2], clip_limit=1.5, grid_size=(4, 4)))
    rgb = hsv_to_rgb(hsv)
    return jnp.transpose(rgb, (1, 2, 0))

if __name__ == "__main__":
    import jax
    _d = setup_inputs()
    print(jax.jit(kernel)(*tuple(_d.values())))

</pallas_src>

<mosaic_0001>
#map = affine_map<(d0, d1) -> (0, 0)>
module attributes {stable_mosaic.version = 14 : i64} {
  func.func @_hist_kernel(%arg0: i32, %arg1: i32, %arg2: memref<512x1536xf32, #tpu.memory_space<hbm>>, %arg3: memref<32x256xf32, #tpu.memory_space<hbm>>, %arg4: memref<128x192xf32, #tpu.memory_space<vmem>>, %arg5: memref<16x256xf32, #tpu.memory_space<vmem>>, %arg6: memref<256xf32, #tpu.memory_space<vmem>>) attributes {dimension_semantics = [#tpu.dimension_semantics<core_parallel>, #tpu.dimension_semantics<subcore_parallel>], iteration_bounds = array<i64: 2, 16>, scalar_prefetch = 0 : i64, scratch_operands = 3 : i64, tpu.core_type = #tpu.core_type<sc_vector_subcore>, window_params = [{transform_indices = #map}, {transform_indices = #map}]} {
    %mul3A = arith.constant 16 : i32
    %mul3A_0 = arith.muli %arg0, %mul3A : i32
    %add3A = arith.addi %mul3A_0, %arg1 : i32
    %jit3A = arith.constant 2 : i32
    %div3A = arith.divsi %add3A, %jit3A : i32
    %sign3A = arith.constant 0 : i32
    %sign3A_1 = arith.cmpi sgt, %add3A, %sign3A : i32
    %sign3A_2 = arith.extui %sign3A_1 : i1 to i32
    %sign3A_3 = arith.constant 0 : i32
    %sign3A_4 = arith.cmpi slt, %add3A, %sign3A_3 : i32
    %sign3A_5 = arith.extui %sign3A_4 : i1 to i32
    %sign3A_6 = arith.subi %sign3A_2, %sign3A_5 : i32
    %sign3A_7 = arith.constant 0 : i32
    %sign3A_8 = arith.cmpi sgt, %jit3A, %sign3A_7 : i32
    %sign3A_9 = arith.extui %sign3A_8 : i1 to i32
    %sign3A_10 = arith.constant 0 : i32
    %sign3A_11 = arith.cmpi slt, %jit3A, %sign3A_10 : i32
    %sign3A_12 = arith.extui %sign3A_11 : i1 to i32
    %sign3A_13 = arith.subi %sign3A_9, %sign3A_12 : i32
    %ne3A = arith.cmpi ne, %sign3A_6, %sign3A_13 : i32
    %rem3A = arith.remsi %add3A, %jit3A : i32
    %ne3A_14 = arith.constant 0 : i32
    %ne3A_15 = arith.cmpi ne, %rem3A, %ne3A_14 : i32
    %and3A = arith.andi %ne3A, %ne3A_15 : i1
    %sub3A = arith.constant 1 : i32
    %sub3A_16 = arith.subi %div3A, %sub3A : i32
    %select_n3A = arith.select %and3A, %sub3A_16, %div3A : i32
    %jit3A_17 = arith.constant 2 : i32
    %eq3A = arith.constant 0 : i32
    %eq3A_18 = arith.cmpi eq, %jit3A_17, %eq3A : i32
    %jit3A_19 = arith.constant 1 : i32
    %select_n3A_20 = arith.select %eq3A_18, %jit3A_19, %jit3A_17 : i32
    %rem3A_21 = arith.remsi %add3A, %select_n3A_20 : i32
    %ne3A_22 = arith.constant 0 : i32
    %ne3A_23 = arith.cmpi ne, %rem3A_21, %ne3A_22 : i32
    %lt3A = arith.constant 0 : i32
    %lt3A_24 = arith.cmpi slt, %rem3A_21, %lt3A : i32
    %lt3A_25 = arith.constant 0 : i32
    %lt3A_26 = arith.cmpi slt, %select_n3A_20, %lt3A_25 : i32
    %ne3A_27 = arith.xori %lt3A_24, %lt3A_26 : i1
    %and3A_28 = arith.andi %ne3A_27, %ne3A_23 : i1
    %add3A_29 = arith.addi %rem3A_21, %select_n3A_20 : i32
    %select_n3A_30 = arith.select %and3A_28, %add3A_29, %rem3A_21 : i32
    %jit3A_31 = arith.constant 4 : i32
    %div3A_32 = arith.divsi %select_n3A, %jit3A_31 : i32
    %sign3A_33 = arith.constant 0 : i32
    %sign3A_34 = arith.cmpi sgt, %select_n3A, %sign3A_33 : i32
    %sign3A_35 = arith.extui %sign3A_34 : i1 to i32
    %sign3A_36 = arith.constant 0 : i32
    %sign3A_37 = arith.cmpi slt, %select_n3A, %sign3A_36 : i32
    %sign3A_38 = arith.extui %sign3A_37 : i1 to i32
    %sign3A_39 = arith.subi %sign3A_35, %sign3A_38 : i32
    %sign3A_40 = arith.constant 0 : i32
    %sign3A_41 = arith.cmpi sgt, %jit3A_31, %sign3A_40 : i32
    %sign3A_42 = arith.extui %sign3A_41 : i1 to i32
    %sign3A_43 = arith.constant 0 : i32
    %sign3A_44 = arith.cmpi slt, %jit3A_31, %sign3A_43 : i32
    %sign3A_45 = arith.extui %sign3A_44 : i1 to i32
    %sign3A_46 = arith.subi %sign3A_42, %sign3A_45 : i32
    %ne3A_47 = arith.cmpi ne, %sign3A_39, %sign3A_46 : i32
    %rem3A_48 = arith.remsi %select_n3A, %jit3A_31 : i32
    %ne3A_49 = arith.constant 0 : i32
    %ne3A_50 = arith.cmpi ne, %rem3A_48, %ne3A_49 : i32
    %and3A_51 = arith.andi %ne3A_47, %ne3A_50 : i1
    %sub3A_52 = arith.constant 1 : i32
    %sub3A_53 = arith.subi %div3A_32, %sub3A_52 : i32
    %select_n3A_54 = arith.select %and3A_51, %sub3A_53, %div3A_32 : i32
    %mul3A_55 = arith.constant 128 : i32
    %mul3A_56 = arith.muli %select_n3A_54, %mul3A_55 : i32
    %jit3A_57 = arith.constant 4 : i32
    %eq3A_58 = arith.constant 0 : i32
    %eq3A_59 = arith.cmpi eq, %jit3A_57, %eq3A_58 : i32
    %jit3A_60 = arith.constant 1 : i32
    %select_n3A_61 = arith.select %eq3A_59, %jit3A_60, %jit3A_57 : i32
    %rem3A_62 = arith.remsi %select_n3A, %select_n3A_61 : i32
    %ne3A_63 = arith.constant 0 : i32
    %ne3A_64 = arith.cmpi ne, %rem3A_62, %ne3A_63 : i32
    %lt3A_65 = arith.constant 0 : i32
    %lt3A_66 = arith.cmpi slt, %rem3A_62, %lt3A_65 : i32
    %lt3A_67 = arith.constant 0 : i32
    %lt3A_68 = arith.cmpi slt, %select_n3A_61, %lt3A_67 : i32
    %ne3A_69 = arith.xori %lt3A_66, %lt3A_68 : i1
    %and3A_70 = arith.andi %ne3A_69, %ne3A_64 : i1
    %add3A_71 = arith.addi %rem3A_62, %select_n3A_61 : i32
    %select_n3A_72 = arith.select %and3A_70, %add3A_71, %rem3A_62 : i32
    %mul3A_73 = arith.constant 128 : i32
    %mul3A_74 = arith.muli %select_n3A_72, %mul3A_73 : i32
    %mul3A_75 = arith.constant 64 : i32
    %mul3A_76 = arith.muli %select_n3A_30, %mul3A_75 : i32
    %add3A_77 = arith.addi %mul3A_74, %mul3A_76 : i32
    %mul3A_78 = arith.constant 3 : i32
    %mul3A_79 = arith.muli %add3A_77, %mul3A_78 : i32
    "tpu.region"() ({
      %run_scoped3A = tpu.sem_alloc : memref<!tpu.dma_semaphore, #tpu.memory_space<semaphore_mem>>
      %dma_start3A = tpu.memref_slice %arg2[%mul3A_56, %mul3A_79] : memref<512x1536xf32, #tpu.memory_space<hbm>> -> memref<128x192xf32, #tpu.memory_space<hbm>>
      %dma_start3A_103 = tpu.memref_slice %arg2[%mul3A_56, %mul3A_79] : memref<512x1536xf32, #tpu.memory_space<hbm>> -> memref<128x192xf32, #tpu.memory_space<hbm>>
      tpu.enqueue_dma source(%dma_start3A_103 : memref<128x192xf32, #tpu.memory_space<hbm>>) target(%arg4 : memref<128x192xf32, #tpu.memory_space<vmem>>) target_semaphore(%run_scoped3A : memref<!tpu.dma_semaphore, #tpu.memory_space<semaphore_mem>>)
      %dma_wait3A = tpu.memref_slice %arg2[%mul3A_56, %mul3A_79] : memref<512x1536xf32, #tpu.memory_space<hbm>> -> memref<128x192xf32, #tpu.memory_space<hbm>>
      %dma_wait3A_104 = tpu.memref_slice %arg2[%mul3A_56, %mul3A_79] : memref<512x1536xf32, #tpu.memory_space<hbm>> -> memref<128x192xf32, #tpu.memory_space<hbm>>
      tpu.wait_dma2 semaphore(%run_scoped3A : memref<!tpu.dma_semaphore, #tpu.memory_space<semaphore_mem>>) src(%dma_wait3A_104 : memref<128x192xf32, #tpu.memory_space<hbm>>) dst(%arg4 : memref<128x192xf32, #tpu.memory_space<vmem>>)
      tpu.yield
    }) : () -> ()
    %broadcast_in_dim3A = arith.constant 0.000000e+00 : f32
    %broadcast_in_dim3A_80 = vector.broadcast %broadcast_in_dim3A : f32 to vector<16xf32>
    %scan3A = arith.constant 0 : i32
    %scan3A_81 = arith.constant 0 : i32
    %scan3A_82 = arith.constant 16 : i32
    %scan3A_83 = arith.addi %scan3A_81, %scan3A_82 : i32
    %scan3A_84 = arith.constant 1 : i32
    %scan3A_85 = scf.for %scan3A_103 = %scan3A_81 to %scan3A_83 step %scan3A_84 iter_args(%scan3A_104 = %scan3A) -> (i32)  : i32 {
      %scan3A_105 = arith.constant 0 : i32
      %scan3A_106 = arith.constant 0 : i32
      %scan3A_107 = arith.constant 16 : i32
      %scan3A_108 = arith.addi %scan3A_106, %scan3A_107 : i32
      %scan3A_109 = arith.constant 1 : i32
      %scan3A_110 = scf.for %scan3A_112 = %scan3A_106 to %scan3A_108 step %scan3A_109 iter_args(%scan3A_113 = %scan3A_105) -> (i32)  : i32 {
        %mul3A_114 = arith.constant 16 : i32
        %mul3A_115 = arith.muli %scan3A_112, %mul3A_114 : i32
        %swap3A = arith.index_cast %scan3A_103 : i32 to index
        %swap3A_116 = arith.index_cast %mul3A_115 : i32 to index
        %swap3A_117 = tpu.vector_load %arg5[%swap3A, %swap3A_116] {strides = array<i32>} : memref<16x256xf32, #tpu.memory_space<vmem>>, vector<16xf32>,
        tpu.vector_store %arg5[%swap3A, %swap3A_116], %broadcast_in_dim3A_80 {strides = array<i32>} : memref<16x256xf32, #tpu.memory_space<vmem>>, vector<16xf32>,
        %scan3A_118 = arith.constant 0 : i32
        scf.yield %scan3A_118 : i32
      }
      %scan3A_111 = arith.constant 16 : i32
      scf.yield %scan3A_110 : i32
    }
    %scan3A_86 = arith.constant 16 : i32
    %iota3A = tpu.iota {dimensions = array<i32: 0>} : vector<16xi32>
    %broadcast_in_dim3A_87 = arith.constant 1.000000e+00 : f32
    %broadcast_in_dim3A_88 = vector.broadcast %broadcast_in_dim3A_87 : f32 to vector<16xf32>
    %scan3A_89 = arith.constant 0 : i32
    %scan3A_90 = arith.constant 0 : i32
    %scan3A_91 = arith.constant 128 : i32
    %scan3A_92 = arith.addi %scan3A_90, %scan3A_91 : i32
    %scan3A_93 = arith.constant 1 : i32
    %scan3A_94 = scf.for %scan3A_103 = %scan3A_90 to %scan3A_92 step %scan3A_93 iter_args(%scan3A_104 = %scan3A_89) -> (i32)  : i32 {
      %broadcast_in_dim3A_105 = vector.broadcast %scan3A_103 : i32 to vector<16xi32>
      %add3A_106 = arith.constant 0 : i32
      %add3A_107 = vector.broadcast %add3A_106 : i32 to vector<16xi32>
      %add3A_108 = arith.addi %add3A_107, %iota3A : vector<16xi32>
      %mul3A_109 = arith.constant 3 : i32
      %mul3A_110 = vector.broadcast %mul3A_109 : i32 to vector<16xi32>
      %mul3A_111 = arith.muli %add3A_108, %mul3A_110 : vector<16xi32>
      %gather3A = tpu.vector_load_idx %arg4[%broadcast_in_dim3A_105, %mul3A_111] : memref<128x192xf32, #tpu.memory_space<vmem>>[vector<16xi32>, vector<16xi32>], vector<16xf32>,
      %add3A_112 = arith.constant 1 : i32
      %add3A_113 = vector.broadcast %add3A_112 : i32 to vector<16xi32>
      %add3A_114 = arith.addi %mul3A_111, %add3A_113 : vector<16xi32>
      %gather3A_115 = tpu.vector_load_idx %arg4[%broadcast_in_dim3A_105, %add3A_114] : memref<128x192xf32, #tpu.memory_space<vmem>>[vector<16xi32>, vector<16xi32>], vector<16xf32>,
      %add3A_116 = arith.constant 2 : i32
      %add3A_117 = vector.broadcast %add3A_116 : i32 to vector<16xi32>
      %add3A_118 = arith.addi %mul3A_111, %add3A_117 : vector<16xi32>
      %gather3A_119 = tpu.vector_load_idx %arg4[%broadcast_in_dim3A_105, %add3A_118] : memref<128x192xf32, #tpu.memory_space<vmem>>[vector<16xi32>, vector<16xi32>], vector<16xf32>,
      %max3A = arith.maximumf %gather3A, %gather3A_115 : vector<16xf32>
      %max3A_120 = arith.maximumf %max3A, %gather3A_119 : vector<16xf32>
      %div3A_121 = arith.constant 2.550000e+02 : f32
      %div3A_122 = vector.broadcast %div3A_121 : f32 to vector<16xf32>
      %div3A_123 = arith.divf %max3A_120, %div3A_122 : vector<16xf32>
      %mul3A_124 = arith.constant 2.550000e+02 : f32
      %mul3A_125 = vector.broadcast %mul3A_124 : f32 to vector<16xf32>
      %mul3A_126 = arith.mulf %div3A_123, %mul3A_125 : vector<16xf32>
      %convert_element_type3A = arith.fptosi %mul3A_126 : vector<16xf32> to vector<16xi32>
      %jit3A_127 = arith.constant 0 : i32
      %jit3A_128 = arith.constant 255 : i32
      %max3A_129 = vector.broadcast %jit3A_127 : i32 to vector<16xi32>
      %max3A_130 = arith.maxsi %max3A_129, %convert_element_type3A : vector<16xi32>
      %min3A = vector.broadcast %jit3A_128 : i32 to vector<16xi32>
      %min3A_131 = arith.minsi %min3A, %max3A_130 : vector<16xi32>
      tpu.vector_store_idx %arg5[%iota3A, %min3A_131], %broadcast_in_dim3A_88 {add = true} : memref<16x256xf32, #tpu.memory_space<vmem>>[vector<16xi32>, vector<16xi32>], vector<16xf32>,
      %add3A_132 = arith.constant 16 : i32
      %add3A_133 = vector.broadcast %add3A_132 : i32 to vector<16xi32>
      %add3A_134 = arith.addi %add3A_133, %iota3A : vector<16xi32>
      %mul3A_135 = arith.constant 3 : i32
      %mul3A_136 = vector.broadcast %mul3A_135 : i32 to vector<16xi32>
      %mul3A_137 = arith.muli %add3A_134, %mul3A_136 : vector<16xi32>
      %gather3A_138 = tpu.vector_load_idx %arg4[%broadcast_in_dim3A_105, %mul3A_137] : memref<128x192xf32, #tpu.memory_space<vmem>>[vector<16xi32>, vector<16xi32>], vector<16xf32>,
      %add3A_139 = arith.constant 1 : i32
      %add3A_140 = vector.broadcast %add3A_139 : i32 to vector<16xi32>
      %add3A_141 = arith.addi %mul3A_137, %add3A_140 : vector<16xi32>
      %gather3A_142 = tpu.vector_load_idx %arg4[%broadcast_in_dim3A_105, %add3A_141] : memref<128x192xf32, #tpu.memory_space<vmem>>[vector<16xi32>, vector<16xi32>], vector<16xf32>,
      %add3A_143 = arith.constant 2 : i32
      %add3A_144 = vector.broadcast %add3A_143 : i32 to vector<16xi32>
      %add3A_145 = arith.addi %mul3A_137, %add3A_144 : vector<16xi32>
      %gather3A_146 = tpu.vector_load_idx %arg4[%broadcast_in_dim3A_105, %add3A_145] : memref<128x192xf32, #tpu.memory_space<vmem>>[vector<16xi32>, vector<16xi32>], vector<16xf32>,
      %max3A_147 = arith.maximumf %gather3A_138, %gather3A_142 : vector<16xf32>
      %max3A_148 = arith.maximumf %max3A_147, %gather3A_146 : vector<16xf32>
      %div3A_149 = arith.constant 2.550000e+02 : f32
      %div3A_150 = vector.broadcast %div3A_149 : f32 to vector<16xf32>
      %div3A_151 = arith.divf %max3A_148, %div3A_150 : vector<16xf32>
      %mul3A_152 = arith.constant 2.550000e+02 : f32
      %mul3A_153 = vector.broadcast %mul3A_152 : f32 to vector<16xf32>
      %mul3A_154 = arith.mulf %div3A_151, %mul3A_153 : vector<16xf32>
      %convert_element_type3A_155 = arith.fptosi %mul3A_154 : vector<16xf32> to vector<16xi32>
      %jit3A_156 = arith.constant 0 : i32
      %jit3A_157 = arith.constant 255 : i32
      %max3A_158 = vector.broadcast %jit3A_156 : i32 to vector<16xi32>
      %max3A_159 = arith.maxsi %max3A_158, %convert_element_type3A_155 : vector<16xi32>
      %min3A_160 = vector.broadcast %jit3A_157 : i32 to vector<16xi32>
      %min3A_161 = arith.minsi %min3A_160, %max3A_159 : vector<16xi32>
      tpu.vector_store_idx %arg5[%iota3A, %min3A_161], %broadcast_in_dim3A_88 {add = true} : memref<16x256xf32, #tpu.memory_space<vmem>>[vector<16xi32>, vector<16xi32>], vector<16xf32>,
      %add3A_162 = arith.constant 32 : i32
      %add3A_163 = vector.broadcast %add3A_162 : i32 to vector<16xi32>
      %add3A_164 = arith.addi %add3A_163, %iota3A : vector<16xi32>
      %mul3A_165 = arith.constant 3 : i32
      %mul3A_166 = vector.broadcast %mul3A_165 : i32 to vector<16xi32>
      %mul3A_167 = arith.muli %add3A_164, %mul3A_166 : vector<16xi32>
      %gather3A_168 = tpu.vector_load_idx %arg4[%broadcast_in_dim3A_105, %mul3A_167] : memref<128x192xf32, #tpu.memory_space<vmem>>[vector<16xi32>, vector<16xi32>], vector<16xf32>,
      %add3A_169 = arith.constant 1 : i32
      %add3A_170 = vector.broadcast %add3A_169 : i32 to vector<16xi32>
      %add3A_171 = arith.addi %mul3A_167, %add3A_170 : vector<16xi32>
      %gather3A_172 = tpu.vector_load_idx %arg4[%broadcast_in_dim3A_105, %add3A_171] : memref<128x192xf32, #tpu.memory_space<vmem>>[vector<16xi32>, vector<16xi32>], vector<16xf32>,
      %add3A_173 = arith.constant 2 : i32
      %add3A_174 = vector.broadcast %add3A_173 : i32 to vector<16xi32>
      %add3A_175 = arith.addi %mul3A_167, %add3A_174 : vector<16xi32>
      %gather3A_176 = tpu.vector_load_idx %arg4[%broadcast_in_dim3A_105, %add3A_175] : memref<128x192xf32, #tpu.memory_space<vmem>>[vector<16xi32>, vector<16xi32>], vector<16xf32>,
      %max3A_177 = arith.maximumf %gather3A_168, %gather3A_172 : vector<16xf32>
      %max3A_178 = arith.maximumf %max3A_177, %gather3A_176 : vector<16xf32>
      %div3A_179 = arith.constant 2.550000e+02 : f32
      %div3A_180 = vector.broadcast %div3A_179 : f32 to vector<16xf32>
      %div3A_181 = arith.divf %max3A_178, %div3A_180 : vector<16xf32>
      %mul3A_182 = arith.constant 2.550000e+02 : f32
      %mul3A_183 = vector.broadcast %mul3A_182 : f32 to vector<16xf32>
      %mul3A_184 = arith.mulf %div3A_181, %mul3A_183 : vector<16xf32>
      %convert_element_type3A_185 = arith.fptosi %mul3A_184 : vector<16xf32> to vector<16xi32>
      %jit3A_186 = arith.constant 0 : i32
      %jit3A_187 = arith.constant 255 : i32
      %max3A_188 = vector.broadcast %jit3A_186 : i32 to vector<16xi32>
      %max3A_189 = arith.maxsi %max3A_188, %convert_element_type3A_185 : vector<16xi32>
      %min3A_190 = vector.broadcast %jit3A_187 : i32 to vector<16xi32>
      %min3A_191 = arith.minsi %min3A_190, %max3A_189 : vector<16xi32>
      tpu.vector_store_idx %arg5[%iota3A, %min3A_191], %broadcast_in_dim3A_88 {add = true} : memref<16x256xf32, #tpu.memory_space<vmem>>[vector<16xi32>, vector<16xi32>], vector<16xf32>,
      %add3A_192 = arith.constant 48 : i32
      %add3A_193 = vector.broadcast %add3A_192 : i32 to vector<16xi32>
      %add3A_194 = arith.addi %add3A_193, %iota3A : vector<16xi32>
      %mul3A_195 = arith.constant 3 : i32
      %mul3A_196 = vector.broadcast %mul3A_195 : i32 to vector<16xi32>
      %mul3A_197 = arith.muli %add3A_194, %mul3A_196 : vector<16xi32>
      %gather3A_198 = tpu.vector_load_idx %arg4[%broadcast_in_dim3A_105, %mul3A_197] : memref<128x192xf32, #tpu.memory_space<vmem>>[vector<16xi32>, vector<16xi32>], vector<16xf32>,
      %add3A_199 = arith.constant 1 : i32
      %add3A_200 = vector.broadcast %add3A_199 : i32 to vector<16xi32>
      %add3A_201 = arith.addi %mul3A_197, %add3A_200 : vector<16xi32>
      %gather3A_202 = tpu.vector_load_idx %arg4[%broadcast_in_dim3A_105, %add3A_201] : memref<128x192xf32, #tpu.memory_space<vmem>>[vector<16xi32>, vector<16xi32>], vector<16xf32>,
      %add3A_203 = arith.constant 2 : i32
      %add3A_204 = vector.broadcast %add3A_203 : i32 to vector<16xi32>
      %add3A_205 = arith.addi %mul3A_197, %add3A_204 : vector<16xi32>
      %gather3A_206 = tpu.vector_load_idx %arg4[%broadcast_in_dim3A_105, %add3A_205] : memref<128x192xf32, #tpu.memory_space<vmem>>[vector<16xi32>, vector<16xi32>], vector<16xf32>,
      %max3A_207 = arith.maximumf %gather3A_198, %gather3A_202 : vector<16xf32>
      %max3A_208 = arith.maximumf %max3A_207, %gather3A_206 : vector<16xf32>
      %div3A_209 = arith.constant 2.550000e+02 : f32
      %div3A_210 = vector.broadcast %div3A_209 : f32 to vector<16xf32>
      %div3A_211 = arith.divf %max3A_208, %div3A_210 : vector<16xf32>
      %mul3A_212 = arith.constant 2.550000e+02 : f32
      %mul3A_213 = vector.broadcast %mul3A_212 : f32 to vector<16xf32>
      %mul3A_214 = arith.mulf %div3A_211, %mul3A_213 : vector<16xf32>
      %convert_element_type3A_215 = arith.fptosi %mul3A_214 : vector<16xf32> to vector<16xi32>
      %jit3A_216 = arith.constant 0 : i32
      %jit3A_217 = arith.constant 255 : i32
      %max3A_218 = vector.broadcast %jit3A_216 : i32 to vector<16xi32>
      %max3A_219 = arith.maxsi %max3A_218, %convert_element_type3A_215 : vector<16xi32>
      %min3A_220 = vector.broadcast %jit3A_217 : i32 to vector<16xi32>
      %min3A_221 = arith.minsi %min3A_220, %max3A_219 : vector<16xi32>
      tpu.vector_store_idx %arg5[%iota3A, %min3A_221], %broadcast_in_dim3A_88 {add = true} : memref<16x256xf32, #tpu.memory_space<vmem>>[vector<16xi32>, vector<16xi32>], vector<16xf32>,
      %scan3A_222 = arith.constant 0 : i32
      scf.yield %scan3A_222 : i32
    }
    %scan3A_95 = arith.constant 128 : i32
    %scan3A_96 = arith.constant 0 : i32
    %scan3A_97 = arith.constant 0 : i32
    %scan3A_98 = arith.constant 16 : i32
    %scan3A_99 = arith.addi %scan3A_97, %scan3A_98 : i32
    %scan3A_100 = arith.constant 1 : i32
    %scan3A_101 = scf.for %scan3A_103 = %scan3A_97 to %scan3A_99 step %scan3A_100 iter_args(%scan3A_104 = %scan3A_96) -> (i32)  : i32 {
      %mul3A_105 = arith.constant 16 : i32
      %mul3A_106 = arith.muli %scan3A_103, %mul3A_105 : i32
      %get3A = arith.constant 0 : i32
      %get3A_107 = arith.index_cast %get3A : i32 to index
      %get3A_108 = arith.index_cast %mul3A_106 : i32 to index
      %get3A_109 = tpu.vector_load %arg5[%get3A_107, %get3A_108] {strides = array<i32>} : memref<16x256xf32, #tpu.memory_space<vmem>>, vector<16xf32>,
      %add3A_110 = arith.addf %broadcast_in_dim3A_80, %get3A_109 : vector<16xf32>
      %mul3A_111 = arith.constant 16 : i32
      %mul3A_112 = arith.muli %scan3A_103, %mul3A_111 : i32
      %get3A_113 = arith.constant 1 : i32
      %get3A_114 = arith.index_cast %get3A_113 : i32 to index
      %get3A_115 = arith.index_cast %mul3A_112 : i32 to index
      %get3A_116 = tpu.vector_load %arg5[%get3A_114, %get3A_115] {strides = array<i32>} : memref<16x256xf32, #tpu.memory_space<vmem>>, vector<16xf32>,
      %add3A_117 = arith.addf %add3A_110, %get3A_116 : vector<16xf32>
      %mul3A_118 = arith.constant 16 : i32
      %mul3A_119 = arith.muli %scan3A_103, %mul3A_118 : i32
      %get3A_120 = arith.constant 2 : i32
      %get3A_121 = arith.index_cast %get3A_120 : i32 to index
      %get3A_122 = arith.index_cast %mul3A_119 : i32 to index
      %get3A_123 = tpu.vector_load %arg5[%get3A_121, %get3A_122] {strides = array<i32>} : memref<16x256xf32, #tpu.memory_space<vmem>>, vector<16xf32>,
      %add3A_124 = arith.addf %add3A_117, %get3A_123 : vector<16xf32>
      %mul3A_125 = arith.constant 16 : i32
      %mul3A_126 = arith.muli %scan3A_103, %mul3A_125 : i32
      %get3A_127 = arith.constant 3 : i32
      %get3A_128 = arith.index_cast %get3A_127 : i32 to index
      %get3A_129 = arith.index_cast %mul3A_126 : i32 to index
      %get3A_130 = tpu.vector_load %arg5[%get3A_128, %get3A_129] {strides = array<i32>} : memref<16x256xf32, #tpu.memory_space<vmem>>, vector<16xf32>,
      %add3A_131 = arith.addf %add3A_124, %get3A_130 : vector<16xf32>
      %mul3A_132 = arith.constant 16 : i32
      %mul3A_133 = arith.muli %scan3A_103, %mul3A_132 : i32
      %get3A_134 = arith.constant 4 : i32
      %get3A_135 = arith.index_cast %get3A_134 : i32 to index
      %get3A_136 = arith.index_cast %mul3A_133 : i32 to index
      %get3A_137 = tpu.vector_load %arg5[%get3A_135, %get3A_136] {strides = array<i32>} : memref<16x256xf32, #tpu.memory_space<vmem>>, vector<16xf32>,
      %add3A_138 = arith.addf %add3A_131, %get3A_137 : vector<16xf32>
      %mul3A_139 = arith.constant 16 : i32
      %mul3A_140 = arith.muli %scan3A_103, %mul3A_139 : i32
      %get3A_141 = arith.constant 5 : i32
      %get3A_142 = arith.index_cast %get3A_141 : i32 to index
      %get3A_143 = arith.index_cast %mul3A_140 : i32 to index
      %get3A_144 = tpu.vector_load %arg5[%get3A_142, %get3A_143] {strides = array<i32>} : memref<16x256xf32, #tpu.memory_space<vmem>>, vector<16xf32>,
      %add3A_145 = arith.addf %add3A_138, %get3A_144 : vector<16xf32>
      %mul3A_146 = arith.constant 16 : i32
      %mul3A_147 = arith.muli %scan3A_103, %mul3A_146 : i32
      %get3A_148 = arith.constant 6 : i32
      %get3A_149 = arith.index_cast %get3A_148 : i32 to index
      %get3A_150 = arith.index_cast %mul3A_147 : i32 to index
      %get3A_151 = tpu.vector_load %arg5[%get3A_149, %get3A_150] {strides = array<i32>} : memref<16x256xf32, #tpu.memory_space<vmem>>, vector<16xf32>,
      %add3A_152 = arith.addf %add3A_145, %get3A_151 : vector<16xf32>
      %mul3A_153 = arith.constant 16 : i32
      %mul3A_154 = arith.muli %scan3A_103, %mul3A_153 : i32
      %get3A_155 = arith.constant 7 : i32
      %get3A_156 = arith.index_cast %get3A_155 : i32 to index
      %get3A_157 = arith.index_cast %mul3A_154 : i32 to index
      %get3A_158 = tpu.vector_load %arg5[%get3A_156, %get3A_157] {strides = array<i32>} : memref<16x256xf32, #tpu.memory_space<vmem>>, vector<16xf32>,
      %add3A_159 = arith.addf %add3A_152, %get3A_158 : vector<16xf32>
      %mul3A_160 = arith.constant 16 : i32
      %mul3A_161 = arith.muli %scan3A_103, %mul3A_160 : i32
      %get3A_162 = arith.constant 8 : i32
      %get3A_163 = arith.index_cast %get3A_162 : i32 to index
      %get3A_164 = arith.index_cast %mul3A_161 : i32 to index
      %get3A_165 = tpu.vector_load %arg5[%get3A_163, %get3A_164] {strides = array<i32>} : memref<16x256xf32, #tpu.memory_space<vmem>>, vector<16xf32>,
      %add3A_166 = arith.addf %add3A_159, %get3A_165 : vector<16xf32>
      %mul3A_167 = arith.constant 16 : i32
      %mul3A_168 = arith.muli %scan3A_103, %mul3A_167 : i32
      %get3A_169 = arith.constant 9 : i32
      %get3A_170 = arith.index_cast %get3A_169 : i32 to index
      %get3A_171 = arith.index_cast %mul3A_168 : i32 to index
      %get3A_172 = tpu.vector_load %arg5[%get3A_170, %get3A_171] {strides = array<i32>} : memref<16x256xf32, #tpu.memory_space<vmem>>, vector<16xf32>,
      %add3A_173 = arith.addf %add3A_166, %get3A_172 : vector<16xf32>
      %mul3A_174 = arith.constant 16 : i32
      %mul3A_175 = arith.muli %scan3A_103, %mul3A_174 : i32
      %get3A_176 = arith.constant 10 : i32
      %get3A_177 = arith.index_cast %get3A_176 : i32 to index
      %get3A_178 = arith.index_cast %mul3A_175 : i32 to index
      %get3A_179 = tpu.vector_load %arg5[%get3A_177, %get3A_178] {strides = array<i32>} : memref<16x256xf32, #tpu.memory_space<vmem>>, vector<16xf32>,
      %add3A_180 = arith.addf %add3A_173, %get3A_179 : vector<16xf32>
      %mul3A_181 = arith.constant 16 : i32
      %mul3A_182 = arith.muli %scan3A_103, %mul3A_181 : i32
      %get3A_183 = arith.constant 11 : i32
      %get3A_184 = arith.index_cast %get3A_183 : i32 to index
      %get3A_185 = arith.index_cast %mul3A_182 : i32 to index
      %get3A_186 = tpu.vector_load %arg5[%get3A_184, %get3A_185] {strides = array<i32>} : memref<16x256xf32, #tpu.memory_space<vmem>>, vector<16xf32>,
      %add3A_187 = arith.addf %add3A_180, %get3A_186 : vector<16xf32>
      %mul3A_188 = arith.constant 16 : i32
      %mul3A_189 = arith.muli %scan3A_103, %mul3A_188 : i32
      %get3A_190 = arith.constant 12 : i32
      %get3A_191 = arith.index_cast %get3A_190 : i32 to index
      %get3A_192 = arith.index_cast %mul3A_189 : i32 to index
      %get3A_193 = tpu.vector_load %arg5[%get3A_191, %get3A_192] {strides = array<i32>} : memref<16x256xf32, #tpu.memory_space<vmem>>, vector<16xf32>,
      %add3A_194 = arith.addf %add3A_187, %get3A_193 : vector<16xf32>
      %mul3A_195 = arith.constant 16 : i32
      %mul3A_196 = arith.muli %scan3A_103, %mul3A_195 : i32
      %get3A_197 = arith.constant 13 : i32
      %get3A_198 = arith.index_cast %get3A_197 : i32 to index
      %get3A_199 = arith.index_cast %mul3A_196 : i32 to index
      %get3A_200 = tpu.vector_load %arg5[%get3A_198, %get3A_199] {strides = array<i32>} : memref<16x256xf32, #tpu.memory_space<vmem>>, vector<16xf32>,
      %add3A_201 = arith.addf %add3A_194, %get3A_200 : vector<16xf32>
      %mul3A_202 = arith.constant 16 : i32
      %mul3A_203 = arith.muli %scan3A_103, %mul3A_202 : i32
      %get3A_204 = arith.constant 14 : i32
      %get3A_205 = arith.index_cast %get3A_204 : i32 to index
      %get3A_206 = arith.index_cast %mul3A_203 : i32 to index
      %get3A_207 = tpu.vector_load %arg5[%get3A_205, %get3A_206] {strides = array<i32>} : memref<16x256xf32, #tpu.memory_space<vmem>>, vector<16xf32>,
      %add3A_208 = arith.addf %add3A_201, %get3A_207 : vector<16xf32>
      %mul3A_209 = arith.constant 16 : i32
      %mul3A_210 = arith.muli %scan3A_103, %mul3A_209 : i32
      %get3A_211 = arith.constant 15 : i32
      %get3A_212 = arith.index_cast %get3A_211 : i32 to index
      %get3A_213 = arith.index_cast %mul3A_210 : i32 to index
      %get3A_214 = tpu.vector_load %arg5[%get3A_212, %get3A_213] {strides = array<i32>} : memref<16x256xf32, #tpu.memory_space<vmem>>, vector<16xf32>,
      %add3A_215 = arith.addf %add3A_208, %get3A_214 : vector<16xf32>
      %mul3A_216 = arith.constant 16 : i32
      %mul3A_217 = arith.muli %scan3A_103, %mul3A_216 : i32
      %swap3A = arith.index_cast %mul3A_217 : i32 to index
      %swap3A_218 = tpu.vector_load %arg6[%swap3A] {strides = array<i32>} : memref<256xf32, #tpu.memory_space<vmem>>, vector<16xf32>,
      tpu.vector_store %arg6[%swap3A], %add3A_215 {strides = array<i32>} : memref<256xf32, #tpu.memory_space<vmem>>, vector<16xf32>,
      %scan3A_219 = arith.constant 0 : i32
      scf.yield %scan3A_219 : i32
    }
    %scan3A_102 = arith.constant 16 : i32
    "tpu.region"() ({
      %run_scoped3A = tpu.sem_alloc : memref<!tpu.dma_semaphore, #tpu.memory_space<semaphore_mem>>
      %dma_start3A = arith.constant 0 : i32
      %dma_start3A_103 = tpu.memref_slice %arg3[%add3A, %dma_start3A] : memref<32x256xf32, #tpu.memory_space<hbm>> -> memref<1x256xf32, #tpu.memory_space<hbm>>
      %dma_start3A_104 = tpu.memref_squeeze %dma_start3A_103 : memref<1x256xf32, #tpu.memory_space<hbm>> -> memref<256xf32, #tpu.memory_space<hbm>>
      %dma_start3A_105 = arith.constant 0 : i32
      %dma_start3A_106 = tpu.memref_slice %arg3[%add3A, %dma_start3A_105] : memref<32x256xf32, #tpu.memory_space<hbm>> -> memref<1x256xf32, #tpu.memory_space<hbm>>
      %dma_start3A_107 = tpu.memref_squeeze %dma_start3A_106 : memref<1x256xf32, #tpu.memory_space<hbm>> -> memref<256xf32, #tpu.memory_space<hbm>>
      tpu.enqueue_dma source(%arg6 : memref<256xf32, #tpu.memory_space<vmem>>) target(%dma_start3A_107 : memref<256xf32, #tpu.memory_space<hbm>>) target_semaphore(%run_scoped3A : memref<!tpu.dma_semaphore, #tpu.memory_space<semaphore_mem>>)
      %dma_wait3A = arith.constant 0 : i32
      %dma_wait3A_108 = tpu.memref_slice %arg3[%add3A, %dma_wait3A] : memref<32x256xf32, #tpu.memory_space<hbm>> -> memref<1x256xf32, #tpu.memory_space<hbm>>
      %dma_wait3A_109 = tpu.memref_squeeze %dma_wait3A_108 : memref<1x256xf32, #tpu.memory_space<hbm>> -> memref<256xf32, #tpu.memory_space<hbm>>
      %dma_wait3A_110 = arith.constant 0 : i32
      %dma_wait3A_111 = tpu.memref_slice %arg3[%add3A, %dma_wait3A_110] : memref<32x256xf32, #tpu.memory_space<hbm>> -> memref<1x256xf32, #tpu.memory_space<hbm>>
      %dma_wait3A_112 = tpu.memref_squeeze %dma_wait3A_111 : memref<1x256xf32, #tpu.memory_space<hbm>> -> memref<256xf32, #tpu.memory_space<hbm>>
      tpu.wait_dma2 semaphore(%run_scoped3A : memref<!tpu.dma_semaphore, #tpu.memory_space<semaphore_mem>>) src(%arg6 : memref<256xf32, #tpu.memory_space<vmem>>) dst(%dma_wait3A_112 : memref<256xf32, #tpu.memory_space<hbm>>)
      tpu.yield
    }) : () -> ()
    return
  }
}

#map = affine_map<(d0, d1) -> (0, 0)>
module attributes {stable_mosaic.version = 14 : i64} {
  func.func @_apply_kernel(%arg0: i32, %arg1: i32, %arg2: memref<512x1536xf32, #tpu.memory_space<hbm>>, %arg3: memref<32x256xf32, #tpu.memory_space<hbm>>, %arg4: memref<512x1536xf32, #tpu.memory_space<hbm>>, %arg5: memref<128x192xf32, #tpu.memory_space<vmem>>, %arg6: memref<128x192xf32, #tpu.memory_space<vmem>>, %arg7: memref<32x256xf32, #tpu.memory_space<vmem>>, %arg8: memref<4096xf32, #tpu.memory_space<vmem>>) attributes {dimension_semantics = [#tpu.dimension_semantics<core_parallel>, #tpu.dimension_semantics<subcore_parallel>], iteration_bounds = array<i64: 2, 16>, scalar_prefetch = 0 : i64, scratch_operands = 4 : i64, tpu.core_type = #tpu.core_type<sc_vector_subcore>, window_params = [{transform_indices = #map}, {transform_indices = #map}, {transform_indices = #map}]} {
    %mul3A = arith.constant 16 : i32
    %mul3A_0 = arith.muli %arg0, %mul3A : i32
    %add3A = arith.addi %mul3A_0, %arg1 : i32
    %jit3A = arith.constant 2 : i32
    %div3A = arith.divsi %add3A, %jit3A : i32
    %sign3A = arith.constant 0 : i32
    %sign3A_1 = arith.cmpi sgt, %add3A, %sign3A : i32
    %sign3A_2 = arith.extui %sign3A_1 : i1 to i32
    %sign3A_3 = arith.constant 0 : i32
    %sign3A_4 = arith.cmpi slt, %add3A, %sign3A_3 : i32
    %sign3A_5 = arith.extui %sign3A_4 : i1 to i32
    %sign3A_6 = arith.subi %sign3A_2, %sign3A_5 : i32
    %sign3A_7 = arith.constant 0 : i32
    %sign3A_8 = arith.cmpi sgt, %jit3A, %sign3A_7 : i32
    %sign3A_9 = arith.extui %sign3A_8 : i1 to i32
    %sign3A_10 = arith.constant 0 : i32
    %sign3A_11 = arith.cmpi slt, %jit3A, %sign3A_10 : i32
    %sign3A_12 = arith.extui %sign3A_11 : i1 to i32
    %sign3A_13 = arith.subi %sign3A_9, %sign3A_12 : i32
    %ne3A = arith.cmpi ne, %sign3A_6, %sign3A_13 : i32
    %rem3A = arith.remsi %add3A, %jit3A : i32
    %ne3A_14 = arith.constant 0 : i32
    %ne3A_15 = arith.cmpi ne, %rem3A, %ne3A_14 : i32
    %and3A = arith.andi %ne3A, %ne3A_15 : i1
    %sub3A = arith.constant 1 : i32
    %sub3A_16 = arith.subi %div3A, %sub3A : i32
    %select_n3A = arith.select %and3A, %sub3A_16, %div3A : i32
    %jit3A_17 = arith.constant 2 : i32
    %eq3A = arith.constant 0 : i32
    %eq3A_18 = arith.cmpi eq, %jit3A_17, %eq3A : i32
    %jit3A_19 = arith.constant 1 : i32
    %select_n3A_20 = arith.select %eq3A_18, %jit3A_19, %jit3A_17 : i32
    %rem3A_21 = arith.remsi %add3A, %select_n3A_20 : i32
    %ne3A_22 = arith.constant 0 : i32
    %ne3A_23 = arith.cmpi ne, %rem3A_21, %ne3A_22 : i32
    %lt3A = arith.constant 0 : i32
    %lt3A_24 = arith.cmpi slt, %rem3A_21, %lt3A : i32
    %lt3A_25 = arith.constant 0 : i32
    %lt3A_26 = arith.cmpi slt, %select_n3A_20, %lt3A_25 : i32
    %ne3A_27 = arith.xori %lt3A_24, %lt3A_26 : i1
    %and3A_28 = arith.andi %ne3A_27, %ne3A_23 : i1
    %add3A_29 = arith.addi %rem3A_21, %select_n3A_20 : i32
    %select_n3A_30 = arith.select %and3A_28, %add3A_29, %rem3A_21 : i32
    %jit3A_31 = arith.constant 4 : i32
    %div3A_32 = arith.divsi %select_n3A, %jit3A_31 : i32
    %sign3A_33 = arith.constant 0 : i32
    %sign3A_34 = arith.cmpi sgt, %select_n3A, %sign3A_33 : i32
    %sign3A_35 = arith.extui %sign3A_34 : i1 to i32
    %sign3A_36 = arith.constant 0 : i32
    %sign3A_37 = arith.cmpi slt, %select_n3A, %sign3A_36 : i32
    %sign3A_38 = arith.extui %sign3A_37 : i1 to i32
    %sign3A_39 = arith.subi %sign3A_35, %sign3A_38 : i32
    %sign3A_40 = arith.constant 0 : i32
    %sign3A_41 = arith.cmpi sgt, %jit3A_31, %sign3A_40 : i32
    %sign3A_42 = arith.extui %sign3A_41 : i1 to i32
    %sign3A_43 = arith.constant 0 : i32
    %sign3A_44 = arith.cmpi slt, %jit3A_31, %sign3A_43 : i32
    %sign3A_45 = arith.extui %sign3A_44 : i1 to i32
    %sign3A_46 = arith.subi %sign3A_42, %sign3A_45 : i32
    %ne3A_47 = arith.cmpi ne, %sign3A_39, %sign3A_46 : i32
    %rem3A_48 = arith.remsi %select_n3A, %jit3A_31 : i32
    %ne3A_49 = arith.constant 0 : i32
    %ne3A_50 = arith.cmpi ne, %rem3A_48, %ne3A_49 : i32
    %and3A_51 = arith.andi %ne3A_47, %ne3A_50 : i1
    %sub3A_52 = arith.constant 1 : i32
    %sub3A_53 = arith.subi %div3A_32, %sub3A_52 : i32
    %select_n3A_54 = arith.select %and3A_51, %sub3A_53, %div3A_32 : i32
    %mul3A_55 = arith.constant 128 : i32
    %mul3A_56 = arith.muli %select_n3A_54, %mul3A_55 : i32
    %jit3A_57 = arith.constant 4 : i32
    %eq3A_58 = arith.constant 0 : i32
    %eq3A_59 = arith.cmpi eq, %jit3A_57, %eq3A_58 : i32
    %jit3A_60 = arith.constant 1 : i32
    %select_n3A_61 = arith.select %eq3A_59, %jit3A_60, %jit3A_57 : i32
    %rem3A_62 = arith.remsi %select_n3A, %select_n3A_61 : i32
    %ne3A_63 = arith.constant 0 : i32
    %ne3A_64 = arith.cmpi ne, %rem3A_62, %ne3A_63 : i32
    %lt3A_65 = arith.constant 0 : i32
    %lt3A_66 = arith.cmpi slt, %rem3A_62, %lt3A_65 : i32
    %lt3A_67 = arith.constant 0 : i32
    %lt3A_68 = arith.cmpi slt, %select_n3A_61, %lt3A_67 : i32
    %ne3A_69 = arith.xori %lt3A_66, %lt3A_68 : i1
    %and3A_70 = arith.andi %ne3A_69, %ne3A_64 : i1
    %add3A_71 = arith.addi %rem3A_62, %select_n3A_61 : i32
    %select_n3A_72 = arith.select %and3A_70, %add3A_71, %rem3A_62 : i32
    %mul3A_73 = arith.constant 128 : i32
    %mul3A_74 = arith.muli %select_n3A_72, %mul3A_73 : i32
    %mul3A_75 = arith.constant 64 : i32
    %mul3A_76 = arith.muli %select_n3A_30, %mul3A_75 : i32
    %add3A_77 = arith.addi %mul3A_74, %mul3A_76 : i32
    "tpu.region"() ({
      %run_scoped3A = tpu.sem_alloc : memref<!tpu.dma_semaphore, #tpu.memory_space<semaphore_mem>>
      tpu.enqueue_dma source(%arg3 : memref<32x256xf32, #tpu.memory_space<hbm>>) target(%arg7 : memref<32x256xf32, #tpu.memory_space<vmem>>) target_semaphore(%run_scoped3A : memref<!tpu.dma_semaphore, #tpu.memory_space<semaphore_mem>>)
      tpu.wait_dma2 semaphore(%run_scoped3A : memref<!tpu.dma_semaphore, #tpu.memory_space<semaphore_mem>>) src(%arg3 : memref<32x256xf32, #tpu.memory_space<hbm>>) dst(%arg7 : memref<32x256xf32, #tpu.memory_space<vmem>>)
      tpu.yield
    }) : () -> ()
    %mul3A_78 = arith.constant 3 : i32
    %mul3A_79 = arith.muli %add3A_77, %mul3A_78 : i32
    "tpu.region"() ({
      %run_scoped3A = tpu.sem_alloc : memref<!tpu.dma_semaphore, #tpu.memory_space<semaphore_mem>>
      %dma_start3A = tpu.memref_slice %arg2[%mul3A_56, %mul3A_79] : memref<512x1536xf32, #tpu.memory_space<hbm>> -> memref<128x192xf32, #tpu.memory_space<hbm>>
      %dma_start3A_279 = tpu.memref_slice %arg2[%mul3A_56, %mul3A_79] : memref<512x1536xf32, #tpu.memory_space<hbm>> -> memref<128x192xf32, #tpu.memory_space<hbm>>
      tpu.enqueue_dma source(%dma_start3A_279 : memref<128x192xf32, #tpu.memory_space<hbm>>) target(%arg5 : memref<128x192xf32, #tpu.memory_space<vmem>>) target_semaphore(%run_scoped3A : memref<!tpu.dma_semaphore, #tpu.memory_space<semaphore_mem>>)
      %dma_wait3A = tpu.memref_slice %arg2[%mul3A_56, %mul3A_79] : memref<512x1536xf32, #tpu.memory_space<hbm>> -> memref<128x192xf32, #tpu.memory_space<hbm>>
      %dma_wait3A_280 = tpu.memref_slice %arg2[%mul3A_56, %mul3A_79] : memref<512x1536xf32, #tpu.memory_space<hbm>> -> memref<128x192xf32, #tpu.memory_space<hbm>>
      tpu.wait_dma2 semaphore(%run_scoped3A : memref<!tpu.dma_semaphore, #tpu.memory_space<semaphore_mem>>) src(%dma_wait3A_280 : memref<128x192xf32, #tpu.memory_space<hbm>>) dst(%arg5 : memref<128x192xf32, #tpu.memory_space<vmem>>)
      tpu.yield
    }) : () -> ()
    %scan3A = arith.constant 0 : i32
    %scan3A_80 = arith.constant 0 : i32
    %scan3A_81 = arith.constant 16 : i32
    %scan3A_82 = arith.addi %scan3A_80, %scan3A_81 : i32
    %scan3A_83 = arith.constant 1 : i32
    %scan3A_84 = scf.for %scan3A_279 = %scan3A_80 to %scan3A_82 step %scan3A_83 iter_args(%scan3A_280 = %scan3A) -> (i32)  : i32 {
      %scan3A_281 = arith.constant 0.000000e+00 : f32
      %scan3A_282 = arith.constant 0 : i32
      %scan3A_283 = arith.constant 16 : i32
      %scan3A_284 = arith.addi %scan3A_282, %scan3A_283 : i32
      %scan3A_285 = arith.constant 1 : i32
      %scan3A_286 = scf.for %scan3A_300 = %scan3A_282 to %scan3A_284 step %scan3A_285 iter_args(%scan3A_301 = %scan3A_281) -> (f32)  : i32 {
        %mul3A_302 = arith.constant 2 : i32
        %mul3A_303 = arith.muli %mul3A_302, %scan3A_279 : i32
        %mul3A_304 = arith.constant 16 : i32
        %mul3A_305 = arith.muli %scan3A_300, %mul3A_304 : i32
        %get3A = arith.index_cast %mul3A_303 : i32 to index
        %get3A_306 = arith.index_cast %mul3A_305 : i32 to index
        %get3A_307 = tpu.vector_load %arg7[%get3A, %get3A_306] {strides = array<i32>} : memref<32x256xf32, #tpu.memory_space<vmem>>, vector<16xf32>,
        %mul3A_308 = arith.constant 2 : i32
        %mul3A_309 = arith.muli %mul3A_308, %scan3A_279 : i32
        %add3A_310 = arith.constant 1 : i32
        %add3A_311 = arith.addi %mul3A_309, %add3A_310 : i32
        %mul3A_312 = arith.constant 16 : i32
        %mul3A_313 = arith.muli %scan3A_300, %mul3A_312 : i32
        %get3A_314 = arith.index_cast %add3A_311 : i32 to index
        %get3A_315 = arith.index_cast %mul3A_313 : i32 to index
        %get3A_316 = tpu.vector_load %arg7[%get3A_314, %get3A_315] {strides = array<i32>} : memref<32x256xf32, #tpu.memory_space<vmem>>, vector<16xf32>,
        %add3A_317 = arith.addf %get3A_307, %get3A_316 : vector<16xf32>
        %min3A_318 = arith.constant 9.600000e+01 : f32
        %min3A_319 = vector.broadcast %min3A_318 : f32 to vector<16xf32>
        %min3A_320 = arith.minimumf %add3A_317, %min3A_319 : vector<16xf32>
        %reduce_sum3A = arith.constant true
        %reduce_sum3A_321 = vector.broadcast %reduce_sum3A : i1 to vector<16xi1>
        %reduce_sum3A_322 = tpu.scan <sum>, %min3A_320 masked %reduce_sum3A_321 : vector<16xf32>, vector<16xi1> -> vector<16xf32>
        %reduce_sum3A_323 = vector.extract %reduce_sum3A_322[15] : f32 from vector<16xf32>
        %add3A_324 = arith.addf %scan3A_301, %reduce_sum3A_323 : f32
        scf.yield %add3A_324 : f32
      }
      %scan3A_287 = arith.constant 16 : i32
      %sub3A_288 = arith.constant 1.638400e+04 : f32
      %sub3A_289 = arith.subf %sub3A_288, %scan3A_286 : f32
      %mul3A_290 = arith.constant 3.906250e-03 : f32
      %mul3A_291 = arith.mulf %sub3A_289, %mul3A_290 : f32
      %scan3A_292 = arith.constant 0.000000e+00 : f32
      %scan3A_293 = arith.constant 0 : i32
      %scan3A_294 = arith.constant 16 : i32
      %scan3A_295 = arith.addi %scan3A_293, %scan3A_294 : i32
      %scan3A_296 = arith.constant 1 : i32
      %scan3A_297 = scf.for %scan3A_300 = %scan3A_293 to %scan3A_295 step %scan3A_296 iter_args(%scan3A_301 = %scan3A_292) -> (f32)  : i32 {
        %mul3A_302 = arith.constant 2 : i32
        %mul3A_303 = arith.muli %mul3A_302, %scan3A_279 : i32
        %mul3A_304 = arith.constant 16 : i32
        %mul3A_305 = arith.muli %scan3A_300, %mul3A_304 : i32
        %get3A = arith.index_cast %mul3A_303 : i32 to index
        %get3A_306 = arith.index_cast %mul3A_305 : i32 to index
        %get3A_307 = tpu.vector_load %arg7[%get3A, %get3A_306] {strides = array<i32>} : memref<32x256xf32, #tpu.memory_space<vmem>>, vector<16xf32>,
        %mul3A_308 = arith.constant 2 : i32
        %mul3A_309 = arith.muli %mul3A_308, %scan3A_279 : i32
        %add3A_310 = arith.constant 1 : i32
        %add3A_311 = arith.addi %mul3A_309, %add3A_310 : i32
        %mul3A_312 = arith.constant 16 : i32
        %mul3A_313 = arith.muli %scan3A_300, %mul3A_312 : i32
        %get3A_314 = arith.index_cast %add3A_311 : i32 to index
        %get3A_315 = arith.index_cast %mul3A_313 : i32 to index
        %get3A_316 = tpu.vector_load %arg7[%get3A_314, %get3A_315] {strides = array<i32>} : memref<32x256xf32, #tpu.memory_space<vmem>>, vector<16xf32>,
        %add3A_317 = arith.addf %get3A_307, %get3A_316 : vector<16xf32>
        %min3A_318 = arith.constant 9.600000e+01 : f32
        %min3A_319 = vector.broadcast %min3A_318 : f32 to vector<16xf32>
        %min3A_320 = arith.minimumf %add3A_317, %min3A_319 : vector<16xf32>
        %add3A_321 = vector.broadcast %mul3A_291 : f32 to vector<16xf32>
        %add3A_322 = arith.addf %min3A_320, %add3A_321 : vector<16xf32>
        %broadcast_in_dim3A = arith.constant true
        %broadcast_in_dim3A_323 = vector.broadcast %broadcast_in_dim3A : i1 to vector<16xi1>
        %masked_cumsum3A = tpu.scan <sum>, %add3A_322 masked %broadcast_in_dim3A_323 : vector<16xf32>, vector<16xi1> -> vector<16xf32>
        %add3A_324 = vector.broadcast %scan3A_301 : f32 to vector<16xf32>
        %add3A_325 = arith.addf %masked_cumsum3A, %add3A_324 : vector<16xf32>
        %mul3A_326 = arith.constant 0.0155639648 : f32
        %mul3A_327 = vector.broadcast %mul3A_326 : f32 to vector<16xf32>
        %mul3A_328 = arith.mulf %add3A_325, %mul3A_327 : vector<16xf32>
        %convert_element_type3A_329 = arith.fptosi %mul3A_328 : vector<16xf32> to vector<16xi32>
        %convert_element_type3A_330 = arith.sitofp %convert_element_type3A_329 : vector<16xi32> to vector<16xf32>
        %jit3A_331 = arith.constant 0.000000e+00 : f32
        %jit3A_332 = arith.constant 2.550000e+02 : f32
        %max3A_333 = vector.broadcast %jit3A_331 : f32 to vector<16xf32>
        %max3A_334 = arith.maximumf %max3A_333, %convert_element_type3A_330 : vector<16xf32>
        %min3A_335 = vector.broadcast %jit3A_332 : f32 to vector<16xf32>
        %min3A_336 = arith.minimumf %min3A_335, %max3A_334 : vector<16xf32>
        %mul3A_337 = arith.constant 256 : i32
        %mul3A_338 = arith.muli %scan3A_279, %mul3A_337 : i32
        %mul3A_339 = arith.constant 16 : i32
        %mul3A_340 = arith.muli %scan3A_300, %mul3A_339 : i32
        %add3A_341 = arith.addi %mul3A_338, %mul3A_340 : i32
        %swap3A = arith.index_cast %add3A_341 : i32 to index
        %swap3A_342 = tpu.vector_load %arg8[%swap3A] {strides = array<i32>} : memref<4096xf32, #tpu.memory_space<vmem>>, vector<16xf32>,
        tpu.vector_store %arg8[%swap3A], %min3A_336 {strides = array<i32>} : memref<4096xf32, #tpu.memory_space<vmem>>, vector<16xf32>,
        %reduce_sum3A = arith.constant true
        %reduce_sum3A_343 = vector.broadcast %reduce_sum3A : i1 to vector<16xi1>
        %reduce_sum3A_344 = tpu.scan <sum>, %add3A_322 masked %reduce_sum3A_343 : vector<16xf32>, vector<16xi1> -> vector<16xf32>
        %reduce_sum3A_345 = vector.extract %reduce_sum3A_344[15] : f32 from vector<16xf32>
        %add3A_346 = arith.addf %scan3A_301, %reduce_sum3A_345 : f32
        scf.yield %add3A_346 : f32
      }
      %scan3A_298 = arith.constant 16 : i32
      %scan3A_299 = arith.constant 0 : i32
      scf.yield %scan3A_299 : i32
    }
    %scan3A_85 = arith.constant 16 : i32
    %iota3A = tpu.iota {dimensions = array<i32: 0>} : vector<16xi32>
    %add3A_86 = arith.constant 0 : i32
    %add3A_87 = arith.addi %add3A_77, %add3A_86 : i32
    %add3A_88 = vector.broadcast %add3A_87 : i32 to vector<16xi32>
    %add3A_89 = arith.addi %add3A_88, %iota3A : vector<16xi32>
    %convert_element_type3A = arith.sitofp %add3A_89 : vector<16xi32> to vector<16xf32>
    %add3A_90 = arith.constant 5.000000e-01 : f32
    %add3A_91 = vector.broadcast %add3A_90 : f32 to vector<16xf32>
    %add3A_92 = arith.addf %convert_element_type3A, %add3A_91 : vector<16xf32>
    %mul3A_93 = arith.constant 7.812500e-03 : f32
    %mul3A_94 = vector.broadcast %mul3A_93 : f32 to vector<16xf32>
    %mul3A_95 = arith.mulf %add3A_92, %mul3A_94 : vector<16xf32>
    %sub3A_96 = arith.constant 5.000000e-01 : f32
    %sub3A_97 = vector.broadcast %sub3A_96 : f32 to vector<16xf32>
    %sub3A_98 = arith.subf %mul3A_95, %sub3A_97 : vector<16xf32>
    %convert_element_type3A_99 = arith.fptosi %sub3A_98 : vector<16xf32> to vector<16xi32>
    %convert_element_type3A_100 = arith.sitofp %convert_element_type3A_99 : vector<16xi32> to vector<16xf32>
    %gt3A = arith.cmpf ogt, %convert_element_type3A_100, %sub3A_98 : vector<16xf32>
    %sub3A_101 = arith.constant 1 : i32
    %sub3A_102 = vector.broadcast %sub3A_101 : i32 to vector<16xi32>
    %sub3A_103 = arith.subi %convert_element_type3A_99, %sub3A_102 : vector<16xi32>
    %select_n3A_104 = arith.select %gt3A, %sub3A_103, %convert_element_type3A_99 : vector<16xi1>, vector<16xi32>
    %convert_element_type3A_105 = arith.sitofp %select_n3A_104 : vector<16xi32> to vector<16xf32>
    %sub3A_106 = arith.subf %sub3A_98, %convert_element_type3A_105 : vector<16xf32>
    %jit3A_107 = arith.constant 0 : i32
    %jit3A_108 = arith.constant 3 : i32
    %max3A = vector.broadcast %jit3A_107 : i32 to vector<16xi32>
    %max3A_109 = arith.maxsi %max3A, %select_n3A_104 : vector<16xi32>
    %min3A = vector.broadcast %jit3A_108 : i32 to vector<16xi32>
    %min3A_110 = arith.minsi %min3A, %max3A_109 : vector<16xi32>
    %add3A_111 = arith.constant 1 : i32
    %add3A_112 = vector.broadcast %add3A_111 : i32 to vector<16xi32>
    %add3A_113 = arith.addi %select_n3A_104, %add3A_112 : vector<16xi32>
    %jit3A_114 = arith.constant 0 : i32
    %jit3A_115 = arith.constant 3 : i32
    %max3A_116 = vector.broadcast %jit3A_114 : i32 to vector<16xi32>
    %max3A_117 = arith.maxsi %max3A_116, %add3A_113 : vector<16xi32>
    %min3A_118 = vector.broadcast %jit3A_115 : i32 to vector<16xi32>
    %min3A_119 = arith.minsi %min3A_118, %max3A_117 : vector<16xi32>
    %mul3A_120 = arith.constant 256 : i32
    %mul3A_121 = vector.broadcast %mul3A_120 : i32 to vector<16xi32>
    %mul3A_122 = arith.muli %min3A_110, %mul3A_121 : vector<16xi32>
    %mul3A_123 = arith.constant 256 : i32
    %mul3A_124 = vector.broadcast %mul3A_123 : i32 to vector<16xi32>
    %mul3A_125 = arith.muli %min3A_119, %mul3A_124 : vector<16xi32>
    %sub3A_126 = arith.constant 1.000000e+00 : f32
    %sub3A_127 = vector.broadcast %sub3A_126 : f32 to vector<16xf32>
    %sub3A_128 = arith.subf %sub3A_127, %sub3A_106 : vector<16xf32>
    %add3A_129 = arith.constant 16 : i32
    %add3A_130 = arith.addi %add3A_77, %add3A_129 : i32
    %add3A_131 = vector.broadcast %add3A_130 : i32 to vector<16xi32>
    %add3A_132 = arith.addi %add3A_131, %iota3A : vector<16xi32>
    %convert_element_type3A_133 = arith.sitofp %add3A_132 : vector<16xi32> to vector<16xf32>
    %add3A_134 = arith.constant 5.000000e-01 : f32
    %add3A_135 = vector.broadcast %add3A_134 : f32 to vector<16xf32>
    %add3A_136 = arith.addf %convert_element_type3A_133, %add3A_135 : vector<16xf32>
    %mul3A_137 = arith.constant 7.812500e-03 : f32
    %mul3A_138 = vector.broadcast %mul3A_137 : f32 to vector<16xf32>
    %mul3A_139 = arith.mulf %add3A_136, %mul3A_138 : vector<16xf32>
    %sub3A_140 = arith.constant 5.000000e-01 : f32
    %sub3A_141 = vector.broadcast %sub3A_140 : f32 to vector<16xf32>
    %sub3A_142 = arith.subf %mul3A_139, %sub3A_141 : vector<16xf32>
    %convert_element_type3A_143 = arith.fptosi %sub3A_142 : vector<16xf32> to vector<16xi32>
    %convert_element_type3A_144 = arith.sitofp %convert_element_type3A_143 : vector<16xi32> to vector<16xf32>
    %gt3A_145 = arith.cmpf ogt, %convert_element_type3A_144, %sub3A_142 : vector<16xf32>
    %sub3A_146 = arith.constant 1 : i32
    %sub3A_147 = vector.broadcast %sub3A_146 : i32 to vector<16xi32>
    %sub3A_148 = arith.subi %convert_element_type3A_143, %sub3A_147 : vector<16xi32>
    %select_n3A_149 = arith.select %gt3A_145, %sub3A_148, %convert_element_type3A_143 : vector<16xi1>, vector<16xi32>
    %convert_element_type3A_150 = arith.sitofp %select_n3A_149 : vector<16xi32> to vector<16xf32>
    %sub3A_151 = arith.subf %sub3A_142, %convert_element_type3A_150 : vector<16xf32>
    %jit3A_152 = arith.constant 0 : i32
    %jit3A_153 = arith.constant 3 : i32
    %max3A_154 = vector.broadcast %jit3A_152 : i32 to vector<16xi32>
    %max3A_155 = arith.maxsi %max3A_154, %select_n3A_149 : vector<16xi32>
    %min3A_156 = vector.broadcast %jit3A_153 : i32 to vector<16xi32>
    %min3A_157 = arith.minsi %min3A_156, %max3A_155 : vector<16xi32>
    %add3A_158 = arith.constant 1 : i32
    %add3A_159 = vector.broadcast %add3A_158 : i32 to vector<16xi32>
    %add3A_160 = arith.addi %select_n3A_149, %add3A_159 : vector<16xi32>
    %jit3A_161 = arith.constant 0 : i32
    %jit3A_162 = arith.constant 3 : i32
    %max3A_163 = vector.broadcast %jit3A_161 : i32 to vector<16xi32>
    %max3A_164 = arith.maxsi %max3A_163, %add3A_160 : vector<16xi32>
    %min3A_165 = vector.broadcast %jit3A_162 : i32 to vector<16xi32>
    %min3A_166 = arith.minsi %min3A_165, %max3A_164 : vector<16xi32>
    %mul3A_167 = arith.constant 256 : i32
    %mul3A_168 = vector.broadcast %mul3A_167 : i32 to vector<16xi32>
    %mul3A_169 = arith.muli %min3A_157, %mul3A_168 : vector<16xi32>
    %mul3A_170 = arith.constant 256 : i32
    %mul3A_171 = vector.broadcast %mul3A_170 : i32 to vector<16xi32>
    %mul3A_172 = arith.muli %min3A_166, %mul3A_171 : vector<16xi32>
    %sub3A_173 = arith.constant 1.000000e+00 : f32
    %sub3A_174 = vector.broadcast %sub3A_173 : f32 to vector<16xf32>
    %sub3A_175 = arith.subf %sub3A_174, %sub3A_151 : vector<16xf32>
    %add3A_176 = arith.constant 32 : i32
    %add3A_177 = arith.addi %add3A_77, %add3A_176 : i32
    %add3A_178 = vector.broadcast %add3A_177 : i32 to vector<16xi32>
    %add3A_179 = arith.addi %add3A_178, %iota3A : vector<16xi32>
    %convert_element_type3A_180 = arith.sitofp %add3A_179 : vector<16xi32> to vector<16xf32>
    %add3A_181 = arith.constant 5.000000e-01 : f32
    %add3A_182 = vector.broadcast %add3A_181 : f32 to vector<16xf32>
    %add3A_183 = arith.addf %convert_element_type3A_180, %add3A_182 : vector<16xf32>
    %mul3A_184 = arith.constant 7.812500e-03 : f32
    %mul3A_185 = vector.broadcast %mul3A_184 : f32 to vector<16xf32>
    %mul3A_186 = arith.mulf %add3A_183, %mul3A_185 : vector<16xf32>
    %sub3A_187 = arith.constant 5.000000e-01 : f32
    %sub3A_188 = vector.broadcast %sub3A_187 : f32 to vector<16xf32>
    %sub3A_189 = arith.subf %mul3A_186, %sub3A_188 : vector<16xf32>
    %convert_element_type3A_190 = arith.fptosi %sub3A_189 : vector<16xf32> to vector<16xi32>
    %convert_element_type3A_191 = arith.sitofp %convert_element_type3A_190 : vector<16xi32> to vector<16xf32>
    %gt3A_192 = arith.cmpf ogt, %convert_element_type3A_191, %sub3A_189 : vector<16xf32>
    %sub3A_193 = arith.constant 1 : i32
    %sub3A_194 = vector.broadcast %sub3A_193 : i32 to vector<16xi32>
    %sub3A_195 = arith.subi %convert_element_type3A_190, %sub3A_194 : vector<16xi32>
    %select_n3A_196 = arith.select %gt3A_192, %sub3A_195, %convert_element_type3A_190 : vector<16xi1>, vector<16xi32>
    %convert_element_type3A_197 = arith.sitofp %select_n3A_196 : vector<16xi32> to vector<16xf32>
    %sub3A_198 = arith.subf %sub3A_189, %convert_element_type3A_197 : vector<16xf32>
    %jit3A_199 = arith.constant 0 : i32
    %jit3A_200 = arith.constant 3 : i32
    %max3A_201 = vector.broadcast %jit3A_199 : i32 to vector<16xi32>
    %max3A_202 = arith.maxsi %max3A_201, %select_n3A_196 : vector<16xi32>
    %min3A_203 = vector.broadcast %jit3A_200 : i32 to vector<16xi32>
    %min3A_204 = arith.minsi %min3A_203, %max3A_202 : vector<16xi32>
    %add3A_205 = arith.constant 1 : i32
    %add3A_206 = vector.broadcast %add3A_205 : i32 to vector<16xi32>
    %add3A_207 = arith.addi %select_n3A_196, %add3A_206 : vector<16xi32>
    %jit3A_208 = arith.constant 0 : i32
    %jit3A_209 = arith.constant 3 : i32
    %max3A_210 = vector.broadcast %jit3A_208 : i32 to vector<16xi32>
    %max3A_211 = arith.maxsi %max3A_210, %add3A_207 : vector<16xi32>
    %min3A_212 = vector.broadcast %jit3A_209 : i32 to vector<16xi32>
    %min3A_213 = arith.minsi %min3A_212, %max3A_211 : vector<16xi32>
    %mul3A_214 = arith.constant 256 : i32
    %mul3A_215 = vector.broadcast %mul3A_214 : i32 to vector<16xi32>
    %mul3A_216 = arith.muli %min3A_204, %mul3A_215 : vector<16xi32>
    %mul3A_217 = arith.constant 256 : i32
    %mul3A_218 = vector.broadcast %mul3A_217 : i32 to vector<16xi32>
    %mul3A_219 = arith.muli %min3A_213, %mul3A_218 : vector<16xi32>
    %sub3A_220 = arith.constant 1.000000e+00 : f32
    %sub3A_221 = vector.broadcast %sub3A_220 : f32 to vector<16xf32>
    %sub3A_222 = arith.subf %sub3A_221, %sub3A_198 : vector<16xf32>
    %add3A_223 = arith.constant 48 : i32
    %add3A_224 = arith.addi %add3A_77, %add3A_223 : i32
    %add3A_225 = vector.broadcast %add3A_224 : i32 to vector<16xi32>
    %add3A_226 = arith.addi %add3A_225, %iota3A : vector<16xi32>
    %convert_element_type3A_227 = arith.sitofp %add3A_226 : vector<16xi32> to vector<16xf32>
    %add3A_228 = arith.constant 5.000000e-01 : f32
    %add3A_229 = vector.broadcast %add3A_228 : f32 to vector<16xf32>
    %add3A_230 = arith.addf %convert_element_type3A_227, %add3A_229 : vector<16xf32>
    %mul3A_231 = arith.constant 7.812500e-03 : f32
    %mul3A_232 = vector.broadcast %mul3A_231 : f32 to vector<16xf32>
    %mul3A_233 = arith.mulf %add3A_230, %mul3A_232 : vector<16xf32>
    %sub3A_234 = arith.constant 5.000000e-01 : f32
    %sub3A_235 = vector.broadcast %sub3A_234 : f32 to vector<16xf32>
    %sub3A_236 = arith.subf %mul3A_233, %sub3A_235 : vector<16xf32>
    %convert_element_type3A_237 = arith.fptosi %sub3A_236 : vector<16xf32> to vector<16xi32>
    %convert_element_type3A_238 = arith.sitofp %convert_element_type3A_237 : vector<16xi32> to vector<16xf32>
    %gt3A_239 = arith.cmpf ogt, %convert_element_type3A_238, %sub3A_236 : vector<16xf32>
    %sub3A_240 = arith.constant 1 : i32
    %sub3A_241 = vector.broadcast %sub3A_240 : i32 to vector<16xi32>
    %sub3A_242 = arith.subi %convert_element_type3A_237, %sub3A_241 : vector<16xi32>
    %select_n3A_243 = arith.select %gt3A_239, %sub3A_242, %convert_element_type3A_237 : vector<16xi1>, vector<16xi32>
    %convert_element_type3A_244 = arith.sitofp %select_n3A_243 : vector<16xi32> to vector<16xf32>
    %sub3A_245 = arith.subf %sub3A_236, %convert_element_type3A_244 : vector<16xf32>
    %jit3A_246 = arith.constant 0 : i32
    %jit3A_247 = arith.constant 3 : i32
    %max3A_248 = vector.broadcast %jit3A_246 : i32 to vector<16xi32>
    %max3A_249 = arith.maxsi %max3A_248, %select_n3A_243 : vector<16xi32>
    %min3A_250 = vector.broadcast %jit3A_247 : i32 to vector<16xi32>
    %min3A_251 = arith.minsi %min3A_250, %max3A_249 : vector<16xi32>
    %add3A_252 = arith.constant 1 : i32
    %add3A_253 = vector.broadcast %add3A_252 : i32 to vector<16xi32>
    %add3A_254 = arith.addi %select_n3A_243, %add3A_253 : vector<16xi32>
    %jit3A_255 = arith.constant 0 : i32
    %jit3A_256 = arith.constant 3 : i32
    %max3A_257 = vector.broadcast %jit3A_255 : i32 to vector<16xi32>
    %max3A_258 = arith.maxsi %max3A_257, %add3A_254 : vector<16xi32>
    %min3A_259 = vector.broadcast %jit3A_256 : i32 to vector<16xi32>
    %min3A_260 = arith.minsi %min3A_259, %max3A_258 : vector<16xi32>
    %mul3A_261 = arith.constant 256 : i32
    %mul3A_262 = vector.broadcast %mul3A_261 : i32 to vector<16xi32>
    %mul3A_263 = arith.muli %min3A_251, %mul3A_262 : vector<16xi32>
    %mul3A_264 = arith.constant 256 : i32
    %mul3A_265 = vector.broadcast %mul3A_264 : i32 to vector<16xi32>
    %mul3A_266 = arith.muli %min3A_260, %mul3A_265 : vector<16xi32>
    %sub3A_267 = arith.constant 1.000000e+00 : f32
    %sub3A_268 = vector.broadcast %sub3A_267 : f32 to vector<16xf32>
    %sub3A_269 = arith.subf %sub3A_268, %sub3A_245 : vector<16xf32>
    %scan3A_270 = arith.constant 0 : i32
    %scan3A_271 = arith.constant 0 : i32
    %scan3A_272 = arith.constant 128 : i32
    %scan3A_273 = arith.addi %scan3A_271, %scan3A_272 : i32
    %scan3A_274 = arith.constant 1 : i32
    %scan3A_275 = scf.for %scan3A_279 = %scan3A_271 to %scan3A_273 step %scan3A_274 iter_args(%scan3A_280 = %scan3A_270) -> (i32)  : i32 {
      %broadcast_in_dim3A = vector.broadcast %scan3A_279 : i32 to vector<16xi32>
      %convert_element_type3A_281 = arith.sitofp %scan3A_279 : i32 to f32
      %add3A_282 = arith.constant 5.000000e-01 : f32
      %add3A_283 = arith.addf %convert_element_type3A_281, %add3A_282 : f32
      %mul3A_284 = arith.constant 7.812500e-03 : f32
      %mul3A_285 = arith.mulf %add3A_283, %mul3A_284 : f32
      %sub3A_286 = arith.constant 5.000000e-01 : f32
      %sub3A_287 = arith.subf %mul3A_285, %sub3A_286 : f32
      %convert_element_type3A_288 = arith.fptosi %sub3A_287 : f32 to i32
      %convert_element_type3A_289 = arith.sitofp %convert_element_type3A_288 : i32 to f32
      %gt3A_290 = arith.cmpf ogt, %convert_element_type3A_289, %sub3A_287 : f32
      %sub3A_291 = arith.constant 1 : i32
      %sub3A_292 = arith.subi %convert_element_type3A_288, %sub3A_291 : i32
      %select_n3A_293 = arith.select %gt3A_290, %sub3A_292, %convert_element_type3A_288 : i32
      %convert_element_type3A_294 = arith.sitofp %select_n3A_293 : i32 to f32
      %sub3A_295 = arith.subf %sub3A_287, %convert_element_type3A_294 : f32
      %sub3A_296 = arith.constant 1.000000e+00 : f32
      %sub3A_297 = arith.subf %sub3A_296, %sub3A_295 : f32
      %jit3A_298 = arith.constant 0 : i32
      %jit3A_299 = arith.constant 3 : i32
      %max3A_300 = arith.maxsi %jit3A_298, %select_n3A_293 : i32
      %min3A_301 = arith.minsi %jit3A_299, %max3A_300 : i32
      %mul3A_302 = arith.constant 1024 : i32
      %mul3A_303 = arith.muli %min3A_301, %mul3A_302 : i32
      %add3A_304 = arith.constant 1 : i32
      %add3A_305 = arith.addi %select_n3A_293, %add3A_304 : i32
      %jit3A_306 = arith.constant 0 : i32
      %jit3A_307 = arith.constant 3 : i32
      %max3A_308 = arith.maxsi %jit3A_306, %add3A_305 : i32
      %min3A_309 = arith.minsi %jit3A_307, %max3A_308 : i32
      %mul3A_310 = arith.constant 1024 : i32
      %mul3A_311 = arith.muli %min3A_309, %mul3A_310 : i32
      %add3A_312 = arith.constant 0 : i32
      %add3A_313 = vector.broadcast %add3A_312 : i32 to vector<16xi32>
      %add3A_314 = arith.addi %add3A_313, %iota3A : vector<16xi32>
      %mul3A_315 = arith.constant 3 : i32
      %mul3A_316 = vector.broadcast %mul3A_315 : i32 to vector<16xi32>
      %mul3A_317 = arith.muli %add3A_314, %mul3A_316 : vector<16xi32>
      %gather3A = tpu.vector_load_idx %arg5[%broadcast_in_dim3A, %mul3A_317] : memref<128x192xf32, #tpu.memory_space<vmem>>[vector<16xi32>, vector<16xi32>], vector<16xf32>,
      %add3A_318 = arith.constant 1 : i32
      %add3A_319 = vector.broadcast %add3A_318 : i32 to vector<16xi32>
      %add3A_320 = arith.addi %mul3A_317, %add3A_319 : vector<16xi32>
      %gather3A_321 = tpu.vector_load_idx %arg5[%broadcast_in_dim3A, %add3A_320] : memref<128x192xf32, #tpu.memory_space<vmem>>[vector<16xi32>, vector<16xi32>], vector<16xf32>,
      %add3A_322 = arith.constant 2 : i32
      %add3A_323 = vector.broadcast %add3A_322 : i32 to vector<16xi32>
      %add3A_324 = arith.addi %mul3A_317, %add3A_323 : vector<16xi32>
      %gather3A_325 = tpu.vector_load_idx %arg5[%broadcast_in_dim3A, %add3A_324] : memref<128x192xf32, #tpu.memory_space<vmem>>[vector<16xi32>, vector<16xi32>], vector<16xf32>,
      %max3A_326 = arith.maximumf %gather3A, %gather3A_321 : vector<16xf32>
      %max3A_327 = arith.maximumf %max3A_326, %gather3A_325 : vector<16xf32>
      %div3A_328 = arith.constant 2.550000e+02 : f32
      %div3A_329 = vector.broadcast %div3A_328 : f32 to vector<16xf32>
      %div3A_330 = arith.divf %max3A_327, %div3A_329 : vector<16xf32>
      %mul3A_331 = arith.constant 2.550000e+02 : f32
      %mul3A_332 = vector.broadcast %mul3A_331 : f32 to vector<16xf32>
      %mul3A_333 = arith.mulf %div3A_330, %mul3A_332 : vector<16xf32>
      %convert_element_type3A_334 = arith.fptosi %mul3A_333 : vector<16xf32> to vector<16xi32>
      %jit3A_335 = arith.constant 0 : i32
      %jit3A_336 = arith.constant 255 : i32
      %max3A_337 = vector.broadcast %jit3A_335 : i32 to vector<16xi32>
      %max3A_338 = arith.maxsi %max3A_337, %convert_element_type3A_334 : vector<16xi32>
      %min3A_339 = vector.broadcast %jit3A_336 : i32 to vector<16xi32>
      %min3A_340 = arith.minsi %min3A_339, %max3A_338 : vector<16xi32>
      %add3A_341 = vector.broadcast %mul3A_303 : i32 to vector<16xi32>
      %add3A_342 = arith.addi %add3A_341, %mul3A_122 : vector<16xi32>
      %add3A_343 = arith.addi %add3A_342, %min3A_340 : vector<16xi32>
      %gather3A_344 = tpu.vector_load_idx %arg8[%add3A_343] : memref<4096xf32, #tpu.memory_space<vmem>>[vector<16xi32>], vector<16xf32>,
      %add3A_345 = vector.broadcast %mul3A_303 : i32 to vector<16xi32>
      %add3A_346 = arith.addi %add3A_345, %mul3A_125 : vector<16xi32>
      %add3A_347 = arith.addi %add3A_346, %min3A_340 : vector<16xi32>
      %gather3A_348 = tpu.vector_load_idx %arg8[%add3A_347] : memref<4096xf32, #tpu.memory_space<vmem>>[vector<16xi32>], vector<16xf32>,
      %add3A_349 = vector.broadcast %mul3A_311 : i32 to vector<16xi32>
      %add3A_350 = arith.addi %add3A_349, %mul3A_122 : vector<16xi32>
      %add3A_351 = arith.addi %add3A_350, %min3A_340 : vector<16xi32>
      %gather3A_352 = tpu.vector_load_idx %arg8[%add3A_351] : memref<4096xf32, #tpu.memory_space<vmem>>[vector<16xi32>], vector<16xf32>,
      %add3A_353 = vector.broadcast %mul3A_311 : i32 to vector<16xi32>
      %add3A_354 = arith.addi %add3A_353, %mul3A_125 : vector<16xi32>
      %add3A_355 = arith.addi %add3A_354, %min3A_340 : vector<16xi32>
      %gather3A_356 = tpu.vector_load_idx %arg8[%add3A_355] : memref<4096xf32, #tpu.memory_space<vmem>>[vector<16xi32>], vector<16xf32>,
      %mul3A_357 = vector.broadcast %sub3A_297 : f32 to vector<16xf32>
      %mul3A_358 = arith.mulf %mul3A_357, %sub3A_128 : vector<16xf32>
      %mul3A_359 = arith.mulf %mul3A_358, %gather3A_344 : vector<16xf32>
      %mul3A_360 = vector.broadcast %sub3A_297 : f32 to vector<16xf32>
      %mul3A_361 = arith.mulf %mul3A_360, %sub3A_106 : vector<16xf32>
      %mul3A_362 = arith.mulf %mul3A_361, %gather3A_348 : vector<16xf32>
      %add3A_363 = arith.addf %mul3A_359, %mul3A_362 : vector<16xf32>
      %mul3A_364 = vector.broadcast %sub3A_295 : f32 to vector<16xf32>
      %mul3A_365 = arith.mulf %mul3A_364, %sub3A_128 : vector<16xf32>
      %mul3A_366 = arith.mulf %mul3A_365, %gather3A_352 : vector<16xf32>
      %add3A_367 = arith.addf %add3A_363, %mul3A_366 : vector<16xf32>
      %mul3A_368 = vector.broadcast %sub3A_295 : f32 to vector<16xf32>
      %mul3A_369 = arith.mulf %mul3A_368, %sub3A_106 : vector<16xf32>
      %mul3A_370 = arith.mulf %mul3A_369, %gather3A_356 : vector<16xf32>
      %add3A_371 = arith.addf %add3A_367, %mul3A_370 : vector<16xf32>
      %div3A_372 = arith.constant 2.550000e+02 : f32
      %div3A_373 = vector.broadcast %div3A_372 : f32 to vector<16xf32>
      %div3A_374 = arith.divf %add3A_371, %div3A_373 : vector<16xf32>
      %gt3A_375 = arith.constant 0.000000e+00 : f32
      %gt3A_376 = vector.broadcast %gt3A_375 : f32 to vector<16xf32>
      %gt3A_377 = arith.cmpf ogt, %div3A_330, %gt3A_376 : vector<16xf32>
      %div3A_378 = arith.divf %div3A_374, %div3A_330 : vector<16xf32>
      %jit3A_379 = arith.constant 0.000000e+00 : f32
      %broadcast_in_dim3A_380 = vector.broadcast %jit3A_379 : f32 to vector<16xf32>
      %select_n3A_381 = arith.select %gt3A_377, %div3A_378, %broadcast_in_dim3A_380 : vector<16xi1>, vector<16xf32>
      %mul3A_382 = arith.constant 0.00392156886 : f32
      %mul3A_383 = vector.broadcast %mul3A_382 : f32 to vector<16xf32>
      %mul3A_384 = arith.mulf %select_n3A_381, %mul3A_383 : vector<16xf32>
      %mul3A_385 = arith.mulf %gather3A, %mul3A_384 : vector<16xf32>
      %select_n3A_386 = arith.select %gt3A_377, %mul3A_385, %div3A_374 : vector<16xi1>, vector<16xf32>
      tpu.vector_store_idx %arg6[%broadcast_in_dim3A, %mul3A_317], %select_n3A_386 : memref<128x192xf32, #tpu.memory_space<vmem>>[vector<16xi32>, vector<16xi32>], vector<16xf32>,
      %add3A_387 = arith.constant 1 : i32
      %add3A_388 = vector.broadcast %add3A_387 : i32 to vector<16xi32>
      %add3A_389 = arith.addi %mul3A_317, %add3A_388 : vector<16xi32>
      %mul3A_390 = arith.mulf %gather3A_321, %mul3A_384 : vector<16xf32>
      %select_n3A_391 = arith.select %gt3A_377, %mul3A_390, %div3A_374 : vector<16xi1>, vector<16xf32>
      tpu.vector_store_idx %arg6[%broadcast_in_dim3A, %add3A_389], %select_n3A_391 : memref<128x192xf32, #tpu.memory_space<vmem>>[vector<16xi32>, vector<16xi32>], vector<16xf32>,
      %add3A_392 = arith.constant 2 : i32
      %add3A_393 = vector.broadcast %add3A_392 : i32 to vector<16xi32>
      %add3A_394 = arith.addi %mul3A_317, %add3A_393 : vector<16xi32>
      %mul3A_395 = arith.mulf %gather3A_325, %mul3A_384 : vector<16xf32>
      %select_n3A_396 = arith.select %gt3A_377, %mul3A_395, %div3A_374 : vector<16xi1>, vector<16xf32>
      tpu.vector_store_idx %arg6[%broadcast_in_dim3A, %add3A_394], %select_n3A_396 : memref<128x192xf32, #tpu.memory_space<vmem>>[vector<16xi32>, vector<16xi32>], vector<16xf32>,
      %add3A_397 = arith.constant 16 : i32
      %add3A_398 = vector.broadcast %add3A_397 : i32 to vector<16xi32>
      %add3A_399 = arith.addi %add3A_398, %iota3A : vector<16xi32>
      %mul3A_400 = arith.constant 3 : i32
      %mul3A_401 = vector.broadcast %mul3A_400 : i32 to vector<16xi32>
      %mul3A_402 = arith.muli %add3A_399, %mul3A_401 : vector<16xi32>
      %gather3A_403 = tpu.vector_load_idx %arg5[%broadcast_in_dim3A, %mul3A_402] : memref<128x192xf32, #tpu.memory_space<vmem>>[vector<16xi32>, vector<16xi32>], vector<16xf32>,
      %add3A_404 = arith.constant 1 : i32
      %add3A_405 = vector.broadcast %add3A_404 : i32 to vector<16xi32>
      %add3A_406 = arith.addi %mul3A_402, %add3A_405 : vector<16xi32>
      %gather3A_407 = tpu.vector_load_idx %arg5[%broadcast_in_dim3A, %add3A_406] : memref<128x192xf32, #tpu.memory_space<vmem>>[vector<16xi32>, vector<16xi32>], vector<16xf32>,
      %add3A_408 = arith.constant 2 : i32
      %add3A_409 = vector.broadcast %add3A_408 : i32 to vector<16xi32>
      %add3A_410 = arith.addi %mul3A_402, %add3A_409 : vector<16xi32>
      %gather3A_411 = tpu.vector_load_idx %arg5[%broadcast_in_dim3A, %add3A_410] : memref<128x192xf32, #tpu.memory_space<vmem>>[vector<16xi32>, vector<16xi32>], vector<16xf32>,
      %max3A_412 = arith.maximumf %gather3A_403, %gather3A_407 : vector<16xf32>
      %max3A_413 = arith.maximumf %max3A_412, %gather3A_411 : vector<16xf32>
      %div3A_414 = arith.constant 2.550000e+02 : f32
      %div3A_415 = vector.broadcast %div3A_414 : f32 to vector<16xf32>
      %div3A_416 = arith.divf %max3A_413, %div3A_415 : vector<16xf32>
      %mul3A_417 = arith.constant 2.550000e+02 : f32
      %mul3A_418 = vector.broadcast %mul3A_417 : f32 to vector<16xf32>
      %mul3A_419 = arith.mulf %div3A_416, %mul3A_418 : vector<16xf32>
      %convert_element_type3A_420 = arith.fptosi %mul3A_419 : vector<16xf32> to vector<16xi32>
      %jit3A_421 = arith.constant 0 : i32
      %jit3A_422 = arith.constant 255 : i32
      %max3A_423 = vector.broadcast %jit3A_421 : i32 to vector<16xi32>
      %max3A_424 = arith.maxsi %max3A_423, %convert_element_type3A_420 : vector<16xi32>
      %min3A_425 = vector.broadcast %jit3A_422 : i32 to vector<16xi32>
      %min3A_426 = arith.minsi %min3A_425, %max3A_424 : vector<16xi32>
      %add3A_427 = vector.broadcast %mul3A_303 : i32 to vector<16xi32>
      %add3A_428 = arith.addi %add3A_427, %mul3A_169 : vector<16xi32>
      %add3A_429 = arith.addi %add3A_428, %min3A_426 : vector<16xi32>
      %gather3A_430 = tpu.vector_load_idx %arg8[%add3A_429] : memref<4096xf32, #tpu.memory_space<vmem>>[vector<16xi32>], vector<16xf32>,
      %add3A_431 = vector.broadcast %mul3A_303 : i32 to vector<16xi32>
      %add3A_432 = arith.addi %add3A_431, %mul3A_172 : vector<16xi32>
      %add3A_433 = arith.addi %add3A_432, %min3A_426 : vector<16xi32>
      %gather3A_434 = tpu.vector_load_idx %arg8[%add3A_433] : memref<4096xf32, #tpu.memory_space<vmem>>[vector<16xi32>], vector<16xf32>,
      %add3A_435 = vector.broadcast %mul3A_311 : i32 to vector<16xi32>
      %add3A_436 = arith.addi %add3A_435, %mul3A_169 : vector<16xi32>
      %add3A_437 = arith.addi %add3A_436, %min3A_426 : vector<16xi32>
      %gather3A_438 = tpu.vector_load_idx %arg8[%add3A_437] : memref<4096xf32, #tpu.memory_space<vmem>>[vector<16xi32>], vector<16xf32>,
      %add3A_439 = vector.broadcast %mul3A_311 : i32 to vector<16xi32>
      %add3A_440 = arith.addi %add3A_439, %mul3A_172 : vector<16xi32>
      %add3A_441 = arith.addi %add3A_440, %min3A_426 : vector<16xi32>
      %gather3A_442 = tpu.vector_load_idx %arg8[%add3A_441] : memref<4096xf32, #tpu.memory_space<vmem>>[vector<16xi32>], vector<16xf32>,
      %mul3A_443 = vector.broadcast %sub3A_297 : f32 to vector<16xf32>
      %mul3A_444 = arith.mulf %mul3A_443, %sub3A_175 : vector<16xf32>
      %mul3A_445 = arith.mulf %mul3A_444, %gather3A_430 : vector<16xf32>
      %mul3A_446 = vector.broadcast %sub3A_297 : f32 to vector<16xf32>
      %mul3A_447 = arith.mulf %mul3A_446, %sub3A_151 : vector<16xf32>
      %mul3A_448 = arith.mulf %mul3A_447, %gather3A_434 : vector<16xf32>
      %add3A_449 = arith.addf %mul3A_445, %mul3A_448 : vector<16xf32>
      %mul3A_450 = vector.broadcast %sub3A_295 : f32 to vector<16xf32>
      %mul3A_451 = arith.mulf %mul3A_450, %sub3A_175 : vector<16xf32>
      %mul3A_452 = arith.mulf %mul3A_451, %gather3A_438 : vector<16xf32>
      %add3A_453 = arith.addf %add3A_449, %mul3A_452 : vector<16xf32>
      %mul3A_454 = vector.broadcast %sub3A_295 : f32 to vector<16xf32>
      %mul3A_455 = arith.mulf %mul3A_454, %sub3A_151 : vector<16xf32>
      %mul3A_456 = arith.mulf %mul3A_455, %gather3A_442 : vector<16xf32>
      %add3A_457 = arith.addf %add3A_453, %mul3A_456 : vector<16xf32>
      %div3A_458 = arith.constant 2.550000e+02 : f32
      %div3A_459 = vector.broadcast %div3A_458 : f32 to vector<16xf32>
      %div3A_460 = arith.divf %add3A_457, %div3A_459 : vector<16xf32>
      %gt3A_461 = arith.constant 0.000000e+00 : f32
      %gt3A_462 = vector.broadcast %gt3A_461 : f32 to vector<16xf32>
      %gt3A_463 = arith.cmpf ogt, %div3A_416, %gt3A_462 : vector<16xf32>
      %div3A_464 = arith.divf %div3A_460, %div3A_416 : vector<16xf32>
      %jit3A_465 = arith.constant 0.000000e+00 : f32
      %broadcast_in_dim3A_466 = vector.broadcast %jit3A_465 : f32 to vector<16xf32>
      %select_n3A_467 = arith.select %gt3A_463, %div3A_464, %broadcast_in_dim3A_466 : vector<16xi1>, vector<16xf32>
      %mul3A_468 = arith.constant 0.00392156886 : f32
      %mul3A_469 = vector.broadcast %mul3A_468 : f32 to vector<16xf32>
      %mul3A_470 = arith.mulf %select_n3A_467, %mul3A_469 : vector<16xf32>
      %mul3A_471 = arith.mulf %gather3A_403, %mul3A_470 : vector<16xf32>
      %select_n3A_472 = arith.select %gt3A_463, %mul3A_471, %div3A_460 : vector<16xi1>, vector<16xf32>
      tpu.vector_store_idx %arg6[%broadcast_in_dim3A, %mul3A_402], %select_n3A_472 : memref<128x192xf32, #tpu.memory_space<vmem>>[vector<16xi32>, vector<16xi32>], vector<16xf32>,
      %add3A_473 = arith.constant 1 : i32
      %add3A_474 = vector.broadcast %add3A_473 : i32 to vector<16xi32>
      %add3A_475 = arith.addi %mul3A_402, %add3A_474 : vector<16xi32>
      %mul3A_476 = arith.mulf %gather3A_407, %mul3A_470 : vector<16xf32>
      %select_n3A_477 = arith.select %gt3A_463, %mul3A_476, %div3A_460 : vector<16xi1>, vector<16xf32>
      tpu.vector_store_idx %arg6[%broadcast_in_dim3A, %add3A_475], %select_n3A_477 : memref<128x192xf32, #tpu.memory_space<vmem>>[vector<16xi32>, vector<16xi32>], vector<16xf32>,
      %add3A_478 = arith.constant 2 : i32
      %add3A_479 = vector.broadcast %add3A_478 : i32 to vector<16xi32>
      %add3A_480 = arith.addi %mul3A_402, %add3A_479 : vector<16xi32>
      %mul3A_481 = arith.mulf %gather3A_411, %mul3A_470 : vector<16xf32>
      %select_n3A_482 = arith.select %gt3A_463, %mul3A_481, %div3A_460 : vector<16xi1>, vector<16xf32>
      tpu.vector_store_idx %arg6[%broadcast_in_dim3A, %add3A_480], %select_n3A_482 : memref<128x192xf32, #tpu.memory_space<vmem>>[vector<16xi32>, vector<16xi32>], vector<16xf32>,
      %add3A_483 = arith.constant 32 : i32
      %add3A_484 = vector.broadcast %add3A_483 : i32 to vector<16xi32>
      %add3A_485 = arith.addi %add3A_484, %iota3A : vector<16xi32>
      %mul3A_486 = arith.constant 3 : i32
      %mul3A_487 = vector.broadcast %mul3A_486 : i32 to vector<16xi32>
      %mul3A_488 = arith.muli %add3A_485, %mul3A_487 : vector<16xi32>
      %gather3A_489 = tpu.vector_load_idx %arg5[%broadcast_in_dim3A, %mul3A_488] : memref<128x192xf32, #tpu.memory_space<vmem>>[vector<16xi32>, vector<16xi32>], vector<16xf32>,
      %add3A_490 = arith.constant 1 : i32
      %add3A_491 = vector.broadcast %add3A_490 : i32 to vector<16xi32>
      %add3A_492 = arith.addi %mul3A_488, %add3A_491 : vector<16xi32>
      %gather3A_493 = tpu.vector_load_idx %arg5[%broadcast_in_dim3A, %add3A_492] : memref<128x192xf32, #tpu.memory_space<vmem>>[vector<16xi32>, vector<16xi32>], vector<16xf32>,
      %add3A_494 = arith.constant 2 : i32
      %add3A_495 = vector.broadcast %add3A_494 : i32 to vector<16xi32>
      %add3A_496 = arith.addi %mul3A_488, %add3A_495 : vector<16xi32>
      %gather3A_497 = tpu.vector_load_idx %arg5[%broadcast_in_dim3A, %add3A_496] : memref<128x192xf32, #tpu.memory_space<vmem>>[vector<16xi32>, vector<16xi32>], vector<16xf32>,
      %max3A_498 = arith.maximumf %gather3A_489, %gather3A_493 : vector<16xf32>
      %max3A_499 = arith.maximumf %max3A_498, %gather3A_497 : vector<16xf32>
      %div3A_500 = arith.constant 2.550000e+02 : f32
      %div3A_501 = vector.broadcast %div3A_500 : f32 to vector<16xf32>
      %div3A_502 = arith.divf %max3A_499, %div3A_501 : vector<16xf32>
      %mul3A_503 = arith.constant 2.550000e+02 : f32
      %mul3A_504 = vector.broadcast %mul3A_503 : f32 to vector<16xf32>
      %mul3A_505 = arith.mulf %div3A_502, %mul3A_504 : vector<16xf32>
      %convert_element_type3A_506 = arith.fptosi %mul3A_505 : vector<16xf32> to vector<16xi32>
      %jit3A_507 = arith.constant 0 : i32
      %jit3A_508 = arith.constant 255 : i32
      %max3A_509 = vector.broadcast %jit3A_507 : i32 to vector<16xi32>
      %max3A_510 = arith.maxsi %max3A_509, %convert_element_type3A_506 : vector<16xi32>
      %min3A_511 = vector.broadcast %jit3A_508 : i32 to vector<16xi32>
      %min3A_512 = arith.minsi %min3A_511, %max3A_510 : vector<16xi32>
      %add3A_513 = vector.broadcast %mul3A_303 : i32 to vector<16xi32>
      %add3A_514 = arith.addi %add3A_513, %mul3A_216 : vector<16xi32>
      %add3A_515 = arith.addi %add3A_514, %min3A_512 : vector<16xi32>
      %gather3A_516 = tpu.vector_load_idx %arg8[%add3A_515] : memref<4096xf32, #tpu.memory_space<vmem>>[vector<16xi32>], vector<16xf32>,
      %add3A_517 = vector.broadcast %mul3A_303 : i32 to vector<16xi32>
      %add3A_518 = arith.addi %add3A_517, %mul3A_219 : vector<16xi32>
      %add3A_519 = arith.addi %add3A_518, %min3A_512 : vector<16xi32>
      %gather3A_520 = tpu.vector_load_idx %arg8[%add3A_519] : memref<4096xf32, #tpu.memory_space<vmem>>[vector<16xi32>], vector<16xf32>,
      %add3A_521 = vector.broadcast %mul3A_311 : i32 to vector<16xi32>
      %add3A_522 = arith.addi %add3A_521, %mul3A_216 : vector<16xi32>
      %add3A_523 = arith.addi %add3A_522, %min3A_512 : vector<16xi32>
      %gather3A_524 = tpu.vector_load_idx %arg8[%add3A_523] : memref<4096xf32, #tpu.memory_space<vmem>>[vector<16xi32>], vector<16xf32>,
      %add3A_525 = vector.broadcast %mul3A_311 : i32 to vector<16xi32>
      %add3A_526 = arith.addi %add3A_525, %mul3A_219 : vector<16xi32>
      %add3A_527 = arith.addi %add3A_526, %min3A_512 : vector<16xi32>
      %gather3A_528 = tpu.vector_load_idx %arg8[%add3A_527] : memref<4096xf32, #tpu.memory_space<vmem>>[vector<16xi32>], vector<16xf32>,
      %mul3A_529 = vector.broadcast %sub3A_297 : f32 to vector<16xf32>
      %mul3A_530 = arith.mulf %mul3A_529, %sub3A_222 : vector<16xf32>
      %mul3A_531 = arith.mulf %mul3A_530, %gather3A_516 : vector<16xf32>
      %mul3A_532 = vector.broadcast %sub3A_297 : f32 to vector<16xf32>
      %mul3A_533 = arith.mulf %mul3A_532, %sub3A_198 : vector<16xf32>
      %mul3A_534 = arith.mulf %mul3A_533, %gather3A_520 : vector<16xf32>
      %add3A_535 = arith.addf %mul3A_531, %mul3A_534 : vector<16xf32>
      %mul3A_536 = vector.broadcast %sub3A_295 : f32 to vector<16xf32>
      %mul3A_537 = arith.mulf %mul3A_536, %sub3A_222 : vector<16xf32>
      %mul3A_538 = arith.mulf %mul3A_537, %gather3A_524 : vector<16xf32>
      %add3A_539 = arith.addf %add3A_535, %mul3A_538 : vector<16xf32>
      %mul3A_540 = vector.broadcast %sub3A_295 : f32 to vector<16xf32>
      %mul3A_541 = arith.mulf %mul3A_540, %sub3A_198 : vector<16xf32>
      %mul3A_542 = arith.mulf %mul3A_541, %gather3A_528 : vector<16xf32>
      %add3A_543 = arith.addf %add3A_539, %mul3A_542 : vector<16xf32>
      %div3A_544 = arith.constant 2.550000e+02 : f32
      %div3A_545 = vector.broadcast %div3A_544 : f32 to vector<16xf32>
      %div3A_546 = arith.divf %add3A_543, %div3A_545 : vector<16xf32>
      %gt3A_547 = arith.constant 0.000000e+00 : f32
      %gt3A_548 = vector.broadcast %gt3A_547 : f32 to vector<16xf32>
      %gt3A_549 = arith.cmpf ogt, %div3A_502, %gt3A_548 : vector<16xf32>
      %div3A_550 = arith.divf %div3A_546, %div3A_502 : vector<16xf32>
      %jit3A_551 = arith.constant 0.000000e+00 : f32
      %broadcast_in_dim3A_552 = vector.broadcast %jit3A_551 : f32 to vector<16xf32>
      %select_n3A_553 = arith.select %gt3A_549, %div3A_550, %broadcast_in_dim3A_552 : vector<16xi1>, vector<16xf32>
      %mul3A_554 = arith.constant 0.00392156886 : f32
      %mul3A_555 = vector.broadcast %mul3A_554 : f32 to vector<16xf32>
      %mul3A_556 = arith.mulf %select_n3A_553, %mul3A_555 : vector<16xf32>
      %mul3A_557 = arith.mulf %gather3A_489, %mul3A_556 : vector<16xf32>
      %select_n3A_558 = arith.select %gt3A_549, %mul3A_557, %div3A_546 : vector<16xi1>, vector<16xf32>
      tpu.vector_store_idx %arg6[%broadcast_in_dim3A, %mul3A_488], %select_n3A_558 : memref<128x192xf32, #tpu.memory_space<vmem>>[vector<16xi32>, vector<16xi32>], vector<16xf32>,
      %add3A_559 = arith.constant 1 : i32
      %add3A_560 = vector.broadcast %add3A_559 : i32 to vector<16xi32>
      %add3A_561 = arith.addi %mul3A_488, %add3A_560 : vector<16xi32>
      %mul3A_562 = arith.mulf %gather3A_493, %mul3A_556 : vector<16xf32>
      %select_n3A_563 = arith.select %gt3A_549, %mul3A_562, %div3A_546 : vector<16xi1>, vector<16xf32>
      tpu.vector_store_idx %arg6[%broadcast_in_dim3A, %add3A_561], %select_n3A_563 : memref<128x192xf32, #tpu.memory_space<vmem>>[vector<16xi32>, vector<16xi32>], vector<16xf32>,
      %add3A_564 = arith.constant 2 : i32
      %add3A_565 = vector.broadcast %add3A_564 : i32 to vector<16xi32>
      %add3A_566 = arith.addi %mul3A_488, %add3A_565 : vector<16xi32>
      %mul3A_567 = arith.mulf %gather3A_497, %mul3A_556 : vector<16xf32>
      %select_n3A_568 = arith.select %gt3A_549, %mul3A_567, %div3A_546 : vector<16xi1>, vector<16xf32>
      tpu.vector_store_idx %arg6[%broadcast_in_dim3A, %add3A_566], %select_n3A_568 : memref<128x192xf32, #tpu.memory_space<vmem>>[vector<16xi32>, vector<16xi32>], vector<16xf32>,
      %add3A_569 = arith.constant 48 : i32
      %add3A_570 = vector.broadcast %add3A_569 : i32 to vector<16xi32>
      %add3A_571 = arith.addi %add3A_570, %iota3A : vector<16xi32>
      %mul3A_572 = arith.constant 3 : i32
      %mul3A_573 = vector.broadcast %mul3A_572 : i32 to vector<16xi32>
      %mul3A_574 = arith.muli %add3A_571, %mul3A_573 : vector<16xi32>
      %gather3A_575 = tpu.vector_load_idx %arg5[%broadcast_in_dim3A, %mul3A_574] : memref<128x192xf32, #tpu.memory_space<vmem>>[vector<16xi32>, vector<16xi32>], vector<16xf32>,
      %add3A_576 = arith.constant 1 : i32
      %add3A_577 = vector.broadcast %add3A_576 : i32 to vector<16xi32>
      %add3A_578 = arith.addi %mul3A_574, %add3A_577 : vector<16xi32>
      %gather3A_579 = tpu.vector_load_idx %arg5[%broadcast_in_dim3A, %add3A_578] : memref<128x192xf32, #tpu.memory_space<vmem>>[vector<16xi32>, vector<16xi32>], vector<16xf32>,
      %add3A_580 = arith.constant 2 : i32
      %add3A_581 = vector.broadcast %add3A_580 : i32 to vector<16xi32>
      %add3A_582 = arith.addi %mul3A_574, %add3A_581 : vector<16xi32>
      %gather3A_583 = tpu.vector_load_idx %arg5[%broadcast_in_dim3A, %add3A_582] : memref<128x192xf32, #tpu.memory_space<vmem>>[vector<16xi32>, vector<16xi32>], vector<16xf32>,
      %max3A_584 = arith.maximumf %gather3A_575, %gather3A_579 : vector<16xf32>
      %max3A_585 = arith.maximumf %max3A_584, %gather3A_583 : vector<16xf32>
      %div3A_586 = arith.constant 2.550000e+02 : f32
      %div3A_587 = vector.broadcast %div3A_586 : f32 to vector<16xf32>
      %div3A_588 = arith.divf %max3A_585, %div3A_587 : vector<16xf32>
      %mul3A_589 = arith.constant 2.550000e+02 : f32
      %mul3A_590 = vector.broadcast %mul3A_589 : f32 to vector<16xf32>
      %mul3A_591 = arith.mulf %div3A_588, %mul3A_590 : vector<16xf32>
      %convert_element_type3A_592 = arith.fptosi %mul3A_591 : vector<16xf32> to vector<16xi32>
      %jit3A_593 = arith.constant 0 : i32
      %jit3A_594 = arith.constant 255 : i32
      %max3A_595 = vector.broadcast %jit3A_593 : i32 to vector<16xi32>
      %max3A_596 = arith.maxsi %max3A_595, %convert_element_type3A_592 : vector<16xi32>
      %min3A_597 = vector.broadcast %jit3A_594 : i32 to vector<16xi32>
      %min3A_598 = arith.minsi %min3A_597, %max3A_596 : vector<16xi32>
      %add3A_599 = vector.broadcast %mul3A_303 : i32 to vector<16xi32>
      %add3A_600 = arith.addi %add3A_599, %mul3A_263 : vector<16xi32>
      %add3A_601 = arith.addi %add3A_600, %min3A_598 : vector<16xi32>
      %gather3A_602 = tpu.vector_load_idx %arg8[%add3A_601] : memref<4096xf32, #tpu.memory_space<vmem>>[vector<16xi32>], vector<16xf32>,
      %add3A_603 = vector.broadcast %mul3A_303 : i32 to vector<16xi32>
      %add3A_604 = arith.addi %add3A_603, %mul3A_266 : vector<16xi32>
      %add3A_605 = arith.addi %add3A_604, %min3A_598 : vector<16xi32>
      %gather3A_606 = tpu.vector_load_idx %arg8[%add3A_605] : memref<4096xf32, #tpu.memory_space<vmem>>[vector<16xi32>], vector<16xf32>,
      %add3A_607 = vector.broadcast %mul3A_311 : i32 to vector<16xi32>
      %add3A_608 = arith.addi %add3A_607, %mul3A_263 : vector<16xi32>
      %add3A_609 = arith.addi %add3A_608, %min3A_598 : vector<16xi32>
      %gather3A_610 = tpu.vector_load_idx %arg8[%add3A_609] : memref<4096xf32, #tpu.memory_space<vmem>>[vector<16xi32>], vector<16xf32>,
      %add3A_611 = vector.broadcast %mul3A_311 : i32 to vector<16xi32>
      %add3A_612 = arith.addi %add3A_611, %mul3A_266 : vector<16xi32>
      %add3A_613 = arith.addi %add3A_612, %min3A_598 : vector<16xi32>
      %gather3A_614 = tpu.vector_load_idx %arg8[%add3A_613] : memref<4096xf32, #tpu.memory_space<vmem>>[vector<16xi32>], vector<16xf32>,
      %mul3A_615 = vector.broadcast %sub3A_297 : f32 to vector<16xf32>
      %mul3A_616 = arith.mulf %mul3A_615, %sub3A_269 : vector<16xf32>
      %mul3A_617 = arith.mulf %mul3A_616, %gather3A_602 : vector<16xf32>
      %mul3A_618 = vector.broadcast %sub3A_297 : f32 to vector<16xf32>
      %mul3A_619 = arith.mulf %mul3A_618, %sub3A_245 : vector<16xf32>
      %mul3A_620 = arith.mulf %mul3A_619, %gather3A_606 : vector<16xf32>
      %add3A_621 = arith.addf %mul3A_617, %mul3A_620 : vector<16xf32>
      %mul3A_622 = vector.broadcast %sub3A_295 : f32 to vector<16xf32>
      %mul3A_623 = arith.mulf %mul3A_622, %sub3A_269 : vector<16xf32>
      %mul3A_624 = arith.mulf %mul3A_623, %gather3A_610 : vector<16xf32>
      %add3A_625 = arith.addf %add3A_621, %mul3A_624 : vector<16xf32>
      %mul3A_626 = vector.broadcast %sub3A_295 : f32 to vector<16xf32>
      %mul3A_627 = arith.mulf %mul3A_626, %sub3A_245 : vector<16xf32>
      %mul3A_628 = arith.mulf %mul3A_627, %gather3A_614 : vector<16xf32>
      %add3A_629 = arith.addf %add3A_625, %mul3A_628 : vector<16xf32>
      %div3A_630 = arith.constant 2.550000e+02 : f32
      %div3A_631 = vector.broadcast %div3A_630 : f32 to vector<16xf32>
      %div3A_632 = arith.divf %add3A_629, %div3A_631 : vector<16xf32>
      %gt3A_633 = arith.constant 0.000000e+00 : f32
      %gt3A_634 = vector.broadcast %gt3A_633 : f32 to vector<16xf32>
      %gt3A_635 = arith.cmpf ogt, %div3A_588, %gt3A_634 : vector<16xf32>
      %div3A_636 = arith.divf %div3A_632, %div3A_588 : vector<16xf32>
      %jit3A_637 = arith.constant 0.000000e+00 : f32
      %broadcast_in_dim3A_638 = vector.broadcast %jit3A_637 : f32 to vector<16xf32>
      %select_n3A_639 = arith.select %gt3A_635, %div3A_636, %broadcast_in_dim3A_638 : vector<16xi1>, vector<16xf32>
      %mul3A_640 = arith.constant 0.00392156886 : f32
      %mul3A_641 = vector.broadcast %mul3A_640 : f32 to vector<16xf32>
      %mul3A_642 = arith.mulf %select_n3A_639, %mul3A_641 : vector<16xf32>
      %mul3A_643 = arith.mulf %gather3A_575, %mul3A_642 : vector<16xf32>
      %select_n3A_644 = arith.select %gt3A_635, %mul3A_643, %div3A_632 : vector<16xi1>, vector<16xf32>
      tpu.vector_store_idx %arg6[%broadcast_in_dim3A, %mul3A_574], %select_n3A_644 : memref<128x192xf32, #tpu.memory_space<vmem>>[vector<16xi32>, vector<16xi32>], vector<16xf32>,
      %add3A_645 = arith.constant 1 : i32
      %add3A_646 = vector.broadcast %add3A_645 : i32 to vector<16xi32>
      %add3A_647 = arith.addi %mul3A_574, %add3A_646 : vector<16xi32>
      %mul3A_648 = arith.mulf %gather3A_579, %mul3A_642 : vector<16xf32>
      %select_n3A_649 = arith.select %gt3A_635, %mul3A_648, %div3A_632 : vector<16xi1>, vector<16xf32>
      tpu.vector_store_idx %arg6[%broadcast_in_dim3A, %add3A_647], %select_n3A_649 : memref<128x192xf32, #tpu.memory_space<vmem>>[vector<16xi32>, vector<16xi32>], vector<16xf32>,
      %add3A_650 = arith.constant 2 : i32
      %add3A_651 = vector.broadcast %add3A_650 : i32 to vector<16xi32>
      %add3A_652 = arith.addi %mul3A_574, %add3A_651 : vector<16xi32>
      %mul3A_653 = arith.mulf %gather3A_583, %mul3A_642 : vector<16xf32>
      %select_n3A_654 = arith.select %gt3A_635, %mul3A_653, %div3A_632 : vector<16xi1>, vector<16xf32>
      tpu.vector_store_idx %arg6[%broadcast_in_dim3A, %add3A_652], %select_n3A_654 : memref<128x192xf32, #tpu.memory_space<vmem>>[vector<16xi32>, vector<16xi32>], vector<16xf32>,
      %scan3A_655 = arith.constant 0 : i32
      scf.yield %scan3A_655 : i32
    }
    %scan3A_276 = arith.constant 128 : i32
    %mul3A_277 = arith.constant 3 : i32
    %mul3A_278 = arith.muli %add3A_77, %mul3A_277 : i32
    "tpu.region"() ({
      %run_scoped3A = tpu.sem_alloc : memref<!tpu.dma_semaphore, #tpu.memory_space<semaphore_mem>>
      %dma_start3A = tpu.memref_slice %arg4[%mul3A_56, %mul3A_278] : memref<512x1536xf32, #tpu.memory_space<hbm>> -> memref<128x192xf32, #tpu.memory_space<hbm>>
      %dma_start3A_279 = tpu.memref_slice %arg4[%mul3A_56, %mul3A_278] : memref<512x1536xf32, #tpu.memory_space<hbm>> -> memref<128x192xf32, #tpu.memory_space<hbm>>
      tpu.enqueue_dma source(%arg6 : memref<128x192xf32, #tpu.memory_space<vmem>>) target(%dma_start3A_279 : memref<128x192xf32, #tpu.memory_space<hbm>>) target_semaphore(%run_scoped3A : memref<!tpu.dma_semaphore, #tpu.memory_space<semaphore_mem>>)
      %dma_wait3A = tpu.memref_slice %arg4[%mul3A_56, %mul3A_278] : memref<512x1536xf32, #tpu.memory_space<hbm>> -> memref<128x192xf32, #tpu.memory_space<hbm>>
      %dma_wait3A_280 = tpu.memref_slice %arg4[%mul3A_56, %mul3A_278] : memref<512x1536xf32, #tpu.memory_space<hbm>> -> memref<128x192xf32, #tpu.memory_space<hbm>>
      tpu.wait_dma2 semaphore(%run_scoped3A : memref<!tpu.dma_semaphore, #tpu.memory_space<semaphore_mem>>) src(%arg6 : memref<128x192xf32, #tpu.memory_space<vmem>>) dst(%dma_wait3A_280 : memref<128x192xf32, #tpu.memory_space<hbm>>)
      tpu.yield
    }) : () -> ()
    return
  }
}

</mosaic_0001>

<sc_bundles>
// kernel: kernel.4.cloned.1.call-start
scs
__scs_entry_jumppad:
0x0: {  	(pc) =	sbr.rel $0x88, $3  }
0x1: {  	(tag) =	ssettag $0x0;
	lr =	simm.s32 $0x1  }
0x2: {  	[smem:$0x3FA0] =	sst lr;
	_ =	strace $0xD0000000  }
0x3: {  	_ = 	snop  }
0x4: {  	_ = 	snop  }
0x5: {  	_ = 	snop  }
0x6: {  	_ = 	snop  }
0x7: {  	_ = 	snop  }
__scs_overlays_trampoline_lowered:
0x8: {  	[smem:$0x3FAF] =	sst s0  }
0x9: {  	[smem:$0x3FB0] =	sst s1  }
0xa: {  	[smem:$0x3FB1] =	sst s2  }
0xb: {  	[smem:$0x3FB2] =	sst s3  }
0xc: {  	[smem:$0x3FB3] =	sst s4  }
0xd: {  	[smem:$0x3FB4] =	sst s5  }
0xe: {  	[smem:$0x3FB5] =	sst s6  }
0xf: {  	[smem:$0x3FB6] =	sst s7  }
0x10: {  	[smem:$0x3FB7] =	sst s8  }
0x11: {  	[smem:$0x3FB8] =	sst s9;
	s0 =	simm.s32 @!p0 $0x0  }
0x12: {  	s1 =	sld [smem:$0x3F9E];
	s0 =	simm.s32 @p0 $0x1  }
0x13: {  	[smem:$0x3FB9] =	sst s0;
	s0 =	simm.s32 @!p1 $0x0  }
0x14: {  	s2 =	sld [smem:$0x3F9D];
	s0 =	simm.s32 @p1 $0x1  }
0x15: {  	[smem:$0x3FBA] =	sst s0;
	s0 =	simm.s32 @!p2 $0x0  }
0x16: {  	s3 =	sld [smem:$0x3FDB];
	s0 =	simm.s32 @p2 $0x1  }
0x17: {  	s4 =	simm.s32 $0x1BF5;
	[smem:$0x3FBC] =	sst s0  }
0x18: {  	s0 =	sld [smem:$0x3F9F];
	_ =	swait.ge [sflag:s4], $0x0  }
0x19: {  	s7 =	sld [smem:$0x3FA0]  }
0x1a: {  	s8 =	sadd.s32 $0xFFFFE003, lr  }
0x1b: {  	s9 =	sadd.s32 $0xFFFFFEF7, lr;
	s5 =	simm.s32 $0xFFFFFFFF;
	p2 =	slt.u32 s8, $0xFFFFF086  }
0x1c: {  	p1 =	slt.u32 s9, $0xF7A;
	s5 =	simm.s32 @!p2 $0x0  }
0x1d: {  	s5 =	simm.s32 @p1 $0x1;
	p0 =	seq.s32 s7, s2  }
0x1e: {  	s7 =	smul.u32 @!p0 $0xF7A, s2;
	p2 =	seq.s32 @!p0 s5, $0x0  }
0x1f: {  	s9 =	smul.u32 $0xF7A, s1;
	s8 =	simm.s32 @!p0 $0x1BF5;
	p2 =	por !p2, p0  }
0x20: {  	[sflag:s8] =	ssyncset.s32 @!p0 $0xFFFFF086;
	s6 =	sadd.s32 @!p0 s3, s7;
	s7 =	simm.s32 @!p0 $0x108  }
0x21: {  	s3 =	sadd.s32 s3, s9;
	s6 =	sadd.s32 @!p0 $0x88, s6;
	s7 =	simm.s32 @p2 $0x1082  }
0x22: {  	[simem:s7], [sflag:s8] =	dma.local @!p0 [hbm:s6], $0xF7A  }
0x23: {  	s9 =	sor.u32 $0xD0000000, s2;
	s6 =	simm.s32 $0x108;
	_ =	swait.ge @!p0 [sflag:s8], $0x0  }
0x24: {  	s3 =	sadd.s32 $0x88, s3;
	s6 =	simm.s32 @!p1 $0x1082;
	[sflag:s4] =	ssyncset.s32 $0xFFFFF086  }
0x25: {  	[simem:s6], [sflag:s4] =	dma.local [hbm:s3], $0xF7A  }
0x26: {  	[smem:$0x3FA0] =	sst s1;
	(tag) =	ssettag s2;
	_ =	strace s9  }
0x27: {  	s1 =	sld [smem:$0x3FB0]  }
0x28: {  	s2 =	sld [smem:$0x3FB1]  }
0x29: {  	s4 =	sld [smem:$0x3FB3]  }
0x2a: {  	p0 =	seq.s32 s5, $0x0;
	s5 =	sld [smem:$0x3FB4]  }
0x2b: {  	s6 =	sld [smem:$0x3FB5]  }
0x2c: {  	s7 =	sld [smem:$0x3FB6]  }
0x2d: {  	s3 =	simm.s32 $0x108;
	s8 =	sld [smem:$0x3FB7]  }
0x2e: {  	s3 =	simm.s32 @!p0 $0x1082;
	s9 =	sld [smem:$0x3FB8]  }
0x2f: {  	lr =	sadd.s32 s0, s3;
	s0 =	sld [smem:$0x3FAF]  }
0x30: {  	s3 =	sld [smem:$0x3FB2]  }
0x31: {  	[smem:$0x3FBB] =	sst s10  }
0x32: {  	s10 =	sld [smem:$0x3FB9];
	_ =	sdelay $0x3  }
0x33: {  	p0 =	seq.s32 s10, $0x1;
	s10 =	sld [smem:$0x3FBB];
	_ =	sdelay $0x3  }
0x34: {  	[smem:$0x3FBB] =	sst s10  }
0x35: {  	s10 =	sld [smem:$0x3FBA];
	_ =	sdelay $0x3  }
0x36: {  	p1 =	seq.s32 s10, $0x1;
	s10 =	sld [smem:$0x3FBB];
	_ =	sdelay $0x3  }
0x37: {  	[smem:$0x3FBB] =	sst s10  }
0x38: {  	s10 =	sld [smem:$0x3FBC]  }
0x39: {  	_ = 	snop;
	(pc) =	sbr.ind lr, $3  }
0x3a: {  	_ = 	snop  }
0x3b: {  	_ = 	snop  }
0x3c: {  	p2 =	seq.s32 s10, $0x1;
	s10 =	sld [smem:$0x3FBB]  }
0x3d: {  	_ =	shalt  }
0x3e: {  	_ =	shalt  }
0x3f: {  	_ =	shalt  }
0x40: {  	_ =	shalt  }
0x41: {  	_ =	shalt  }
0x42: {  	_ =	shalt  }
0x43: {  	_ =	shalt  }
0x44: {  	_ =	shalt  }
0x45: {  	_ =	shalt  }
0x46: {  	_ =	shalt  }
0x47: {  	_ =	shalt  }
0x48: {  	_ =	shalt  }
0x49: {  	_ =	shalt  }
0x4a: {  	_ =	shalt  }
0x4b: {  	_ =	shalt  }
0x4c: {  	_ =	shalt  }
0x4d: {  	_ =	shalt  }
0x4e: {  	_ =	shalt  }
0x4f: {  	_ =	shalt  }
0x50: {  	_ =	shalt  }
0x51: {  	_ =	shalt  }
0x52: {  	_ =	shalt  }
0x53: {  	_ =	shalt  }
0x54: {  	_ =	shalt  }
0x55: {  	_ =	shalt  }
0x56: {  	_ =	shalt  }
0x57: {  	_ =	shalt  }
0x58: {  	_ =	shalt  }
0x59: {  	_ =	shalt  }
0x5a: {  	_ =	shalt  }
0x5b: {  	_ =	shalt  }
0x5c: {  	_ =	shalt  }
0x5d: {  	_ =	shalt  }
0x5e: {  	_ =	shalt  }
0x5f: {  	_ =	shalt  }
0x60: {  	_ =	shalt  }
0x61: {  	_ =	shalt  }
0x62: {  	_ =	shalt  }
0x63: {  	_ =	shalt  }
0x64: {  	_ =	shalt  }
0x65: {  	_ =	shalt  }
0x66: {  	_ =	shalt  }
0x67: {  	_ =	shalt  }
0x68: {  	_ =	shalt  }
0x69: {  	_ =	shalt  }
0x6a: {  	_ =	shalt  }
0x6b: {  	_ =	shalt  }
0x6c: {  	_ =	shalt  }
0x6d: {  	_ =	shalt  }
0x6e: {  	_ =	shalt  }
0x6f: {  	_ =	shalt  }
0x70: {  	_ =	shalt  }
0x71: {  	_ =	shalt  }
0x72: {  	_ =	shalt  }
0x73: {  	_ =	shalt  }
0x74: {  	_ =	shalt  }
0x75: {  	_ =	shalt  }
0x76: {  	_ =	shalt  }
0x77: {  	_ =	shalt  }
0x78: {  	_ =	shalt  }
0x79: {  	_ =	shalt  }
0x7a: {  	_ =	shalt  }
0x7b: {  	_ =	shalt  }
0x7c: {  	_ =	shalt  }
0x7d: {  	_ =	shalt  }
0x7e: {  	_ =	shalt  }
0x7f: {  	_ =	shalt  }
0x80: {  	_ =	shalt  }
0x81: {  	_ =	shalt  }
0x82: {  	_ =	shalt  }
0x83: {  	_ =	shalt  }
0x84: {  	_ =	shalt  }
0x85: {  	_ =	shalt  }
0x86: {  	_ =	shalt  }
0x87: {  	_ =	shalt  }
.Lfunc_end0:
.L_simem_size_0:
called_computation_lowered:
.L_overlay_start_0:
0x88: {  	s2 =	sld [smem:$0x3FD9]  }
0x89: {  	s3 =	sld [smem:$0x3FFE];
	_ =	sdelay $0x1  }
0x8a: {  	s1 =	srdreg.scid  }
0x8b: {  	s0 =	sand.u32 $0x1, s1  }
0x8c: {  	s17 =	sshll.u32 s0, $0xA;
	s2 =	sadd.s32 s3, s2  }
0x8d: {  	s2 =	sadd.s32 s2, s17  }
0x8e: {  	[smem:$0x3FC7] =	sst s2  }
0x8f: {  	_ = 	snop  }
0x90: {  	s2 =	sld [smem:$0x3FD0];
	(tm) =	ssettm $0x1  }
0x91: {  	s18 =	sld [smem:$0x3FFB];
	_ =	sdelay $0x3  }
0x92: {  	_ =	strace s18  }
0x93: {  	s3 =	sld [smem:$0x3FFC];
	_ =	sdelay $0x3  }
0x94: {  	_ =	strace s3  }
0x95: {  	s3 =	sld [smem:$0x3FFD];
	_ =	sdelay $0x3  }
0x96: {  	_ =	strace s3  }
0x97: {  	_ =	strace $0x8FFFFFFF  }
0x98: {  	s19 =	sld [smem:$0x3FDB];
	_ =	sdelay $0x1  }
0x99: {  	s4 =	simm.s32 $_scs_section_size  }
0x9a: {  	s5 =	simm.s32 $_size__tile_overlayer_lowered;
	s6 =	simm.s32 $_tile_overlayer_lowered  }
0x9b: {  	s22 =	simm.s32 $0x1BFF;
	s21 =	sshll.u32 s6, $0x1;
	s3 =	sadd.s32 s4, s19  }
0x9c: {  	s7 =	simm.s32 $0x0;
	s20 =	sshll.u32 s5, $0x1;
	s5 =	sadd.s32 s21, s3  }
0x9d: {  	[timem:s7], [sflag:s22] =	dma.local [hbm:s5], s20  }
0x9e: {  	_ =	swait.ge [sflag:s22], s20  }
0x9f: {  	s4 =	ssub.s32 $0x0, s20;
	[sflag:s22] =	ssyncset.done $0x0  }
0xa0: {  	[sflag:s22] =	ssyncadd.s32 s4;
	_ =	sdelay $0x1  }
0xa1: {  	s23 =	simm.s32 $0x1B8B  }
0xa2: {  	_ =	swait.ge [sflag:s23], $0x1  }
0xa3: {  	[sflag:s23] =	ssyncset.done $0x0  }
0xa4: {  	s25 =	simm.s32 $0x1B8E;
	s24 =	sld [smem:$0x3FFE];
	[sflag:s23] =	ssyncadd.s32 $0xFFFFFFFF  }
0xa5: {  	s26 =	simm.s32 $execute0_lowered;
	[smem:$0x3FD2] =	sst s25  }
0xa6: {  	s5 =	sshll.u32 s26, $0x1;
	_ =	strace $0x80000046;
	[dreg:$0x1] =	wrdreg $0xFFFFFFFF  }
0xa7: {  	s28 =	simm.s32 $_size_execute0_lowered;
	s3 =	sadd.s32 s3, s5;
	[dreg:$0x0] =	wrdreg $0x0  }
0xa8: {  	s5 =	sshll.u32 s28, $0x1;
	[dreg:$0x2] =	wrdreg s3  }
0xa9: {  	[dreg:$0x3] =	wrdreg s5  }
0xaa: {  	[dreg:$0x4] =	wrdreg $0xC0  }
0xab: {  	_ =	task [dreg:s7], $0x5FFFF  }
0xac: {  	[dreg:$0x1] =	wrdreg $0xFFFFFFFF  }
0xad: {  	[dreg:$0x0] =	wrdreg $0x60  }
0xae: {  	[dreg:$0x2] =	wrdreg s2  }
0xaf: {  	[dreg:$0x3] =	wrdreg s24  }
0xb0: {  	[dreg:$0x4] =	wrdreg $0x9  }
0xb1: {  	_ =	task.clear_ibuf [dreg:s7], $0x5FFFF;
	_ =	strace $0x90000046  }
0xb2: {  	s29 =	simm.s32 $0x9;
	_ =	strace $0x80000048  }
0xb3: {  	_ =	swait.ge [sflag:s29], $0x1  }
0xb4: {  	[sflag:s29] =	ssyncadd.s32 $0xFFFFFFFF  }
0xb5: {  	_ =	strace $0x90000048  }
0xb6: {  	_ =	sfence  }
0xb7: {  	s30 =	sld [smem:$0x0];
	_ =	sdelay $0x2  }
0xb8: {  	s31 =	sshll.u32 s1, $0xD;
	s1 =	sshrl.u32 s1, $0x2  }
0xb9: {  	s3 =	sand.u32 $0x4000, s31;
	s1 =	sadd.s32 s1, s30  }
0xba: {  	s0 =	sor.u32 s3, s0;
	s1 =	sshll.u32 s1, $0x11  }
0xbb: {  	s0 =	sor.u32 s1, s0  }
0xbc: {  	s0 =	sadd.s32 $0x8F2B, s0  }
0xbd: {  	[sflag:s0] =	ssyncadd.remote.s32 $0x1  }
0xbe: {  	_ =	sfence.sel $0xFFFF  }
0xbf: {  	[dreg:$0x0] =	wrdreg $0xFFFFFFFF;
	(pc) =	sbr.abs _section_cstart, $3  }
0xc0: {  	[dreg:$0x1] =	wrdreg $0xFFFFFFFF  }
0xc1: {  	_ =	task.clear_ibuf [dreg:s7], $0x2FFFF;
	_ =	strace $0x9FFFFFFF  }
0xc2: {  	(tm) =	ssettm $0x7FFFFFFF  }
0xc3: {  	_ =	shalt  }
tec
execute0_lowered:
.L_overlay_start_1:
0x0: {  	(tag) =	ssettag $0x1  }
0x1: {  	s0 =	srdreg.scid  }
0x2: {  	s3 =	sand.u32 $0x1, s0  }
0x3: {  	s0 =	stileid.u32;
	s1 =	sshll.u32 s3, $0x4  }
0x4: {  	s22 =	sand.u32 $0x1, s0;
	s4 =	sor.u32 s0, s1  }
0x5: {  	p1 =	seq.s32 s22, $0x1;
	p0 =	seq.s32 s4, $0x0  }
0x6: {  	p0 =	por !p0, !p1  }
0x7: {  	s1 =	simm.s32 $0x1;
	p0 =	por !p0, !p0  }
0x8: {  	s2 =	sshrl.u32 s4, $0x1;
	s1 =	simm.s32 @!p0 $0x0  }
0x9: {  	s5 =	ssub.s32 s2, s1  }
0xa: {  	s1 =	sshrl.u32 s5, $0xD  }
0xb: {  	s1 =	sand.u32 $0x3, s1  }
0xc: {  	s6 =	sadd.s32 s1, s5  }
0xd: {  	s7 =	rddreg [dreg:$0x0];
	s1 =	sand.u32 $0xFFFFFFFC, s6  }
0xe: {  	s8 =	rddreg [dreg:$0x1];
	s2 =	simm.s32 $0x0;
	s9 =	ssub.s32 s5, s1  }
0xf: {  	[smem:$0x7FF] =	sst s2;
	p5 =	slt.s32 s5, $0x1;
	s10 =	sand.u32 $0xFF, s9  }
0x10: {  	v0 =	vimm.f32 $2.550000000e+02;
	s1 =	rddreg [dreg:$0x2];
	_ =	strace $0x80000047;
	p6 =	sne.s32 s10, $0x0  }
0x11: {  	s11 =	simm.s32 $0x0;
	(erf) = vrcp.f32 v0;
	p0 =	por !p5, !p6  }
0x12: {  	s23 =	sshrl.u32 s6, $0x2;
	s6 =	simm.s32 $0x1;
	p0 =	por !p0, !p0  }
0x13: {  	s24 =	sshll.u32 s0, $0x6;
	s9 =	sshll.u32 s9, $0x7;
	s6 =	simm.s32 @!p0 $0x0  }
0x14: {  	v4 =	vlaneseq.u32;
	s26 =	sand.u32 $0x40, s24;
	s25 =	sand.u32 $0x180, s9;
	s5 =	ssub.s32 s23, s6  }
0x15: {  	s3 =	ssub.s32 $0x2, s3;
	v0 =	vmul.u32 $0x3, v4;
	s6 =	sor.u32 s26, s25;
	s5 =	smul.u32 $0x30000, s5  }
0x16: {  	v1 =	vimm.f32 $0.0e+00;
	v5 =	vimm.f32 $1.000000000e+00;
	s28 =	sshrl.u32 s3, $0x1;
	s4 =	sshll.u32 s4, $0x5;
	s6 =	smul.u32 $0x3, s6  }
0x17: {  	s30 =	ssub.s32 s3, s28;
	s3 =	simm.s32 $0x1;
	s29 =	sadd.s32 s4, s8;
	v4 =	vmul.u32 $0x100, v4;
	v2 =	vadd.s32 $0x1, v0;
	v3 =	vadd.s32 $0x2, v0  }
0x18: {  	s8 =	simm.s32 $0x600;
	s9 =	simm.s32 $0x6000;
	v6 =	vadd.s32 $0x30, v0;
	v7 =	vadd.s32 $0x31, v0;
	v8 =	vadd.s32 $0x32, v0;
	s5 =	sor.u32 s6, s5  }
0x19: {  	s10 =	simm.s32 $0x7000;
	v9 =	vadd.s32 $0x60, v0;
	v10 =	vadd.s32 $0x61, v0;
	v11 =	vadd.s32 $0x62, v0;
	s6 =	smax.u32 s30, $0x1;
	s31 =	sshrl.u32 s5, $0x3  }
0x1a: {  	v13 =	vadd.s32 $0x90, v0;
	v14 =	vadd.s32 $0x91, v0;
	v15 =	vadd.s32 $0x92, v0;
	s5 =	sadd.s32 $0x800, s29;
	v12 =	vpop (erf);
	s4 =	sadd.s32 s7, s31;
	s7 =	simm.s32 $0xC0  }
.LBB2_1:
0x1b: {  	[tilespmem:s2], [sflag:$0x1] =	stream.strided.gather [hbm4b:s4+s7], $0x6000, s8, s7, $0x38;
	[tilespmem:$0x7100] =	vst v63  }
0x1c: {  	_ =	swait.ge [sflag:s3], $0x6000  }
0x1d: {  	[sflag:s3] =	ssyncset.done $0x0  }
0x1e: {  	s13 =	simm.s32 $0x0;
	s12 =	simm.s32 $0x400;
	[sflag:s3] =	ssyncadd.s32 $0xFFFFA000  }
.LBB2_2:
0x1f: {  	p0 =	sne.s32 s12, $0x3C00;
	[tilespmem:s13+$0x60F0] =	vst v1  }
0x20: {  	[tilespmem:s13+$0x6000] =	vst v1  }
0x21: {  	[tilespmem:s13+$0x6010] =	vst v1  }
0x22: {  	[tilespmem:s13+$0x6020] =	vst v1  }
0x23: {  	[tilespmem:s13+$0x6030] =	vst v1  }
0x24: {  	[tilespmem:s13+$0x6040] =	vst v1  }
0x25: {  	[tilespmem:s13+$0x6050] =	vst v1  }
0x26: {  	[tilespmem:s13+$0x6060] =	vst v1  }
0x27: {  	[tilespmem:s13+$0x6070] =	vst v1  }
0x28: {  	[tilespmem:s13+$0x6080] =	vst v1  }
0x29: {  	[tilespmem:s13+$0x6090] =	vst v1  }
.Ltmp0:
0x2a: {  	[tilespmem:s13+$0x60A0] =	vst v1;
	(pc) =	sbr.rel @p0 .LBB2_2-.Ltmp0, $4  }
0x2b: {  	[tilespmem:s13+$0x60B0] =	vst v1  }
0x2c: {  	[tilespmem:s13+$0x60C0] =	vst v1  }
0x2d: {  	[tilespmem:s13+$0x60D0] =	vst v1  }
0x2e: {  	[tilespmem:s13+$0x60E0] =	vst v1;
	s13 =	sshra.s32 s12, $0x2;
	s12 =	sadd.s32 $0x400, s12  }
0x2f: {  	[tilespmem:s13+$0x60F0] =	vst v1  }
0x30: {  	[tilespmem:s13+$0x6000] =	vst v1  }
0x31: {  	[tilespmem:s13+$0x6010] =	vst v1  }
0x32: {  	[tilespmem:s13+$0x6020] =	vst v1  }
0x33: {  	[tilespmem:s13+$0x6030] =	vst v1  }
0x34: {  	[tilespmem:s13+$0x6040] =	vst v1  }
0x35: {  	[tilespmem:s13+$0x6050] =	vst v1  }
0x36: {  	[tilespmem:s13+$0x6060] =	vst v1  }
0x37: {  	[tilespmem:s13+$0x6070] =	vst v1  }
0x38: {  	[tilespmem:s13+$0x6080] =	vst v1  }
0x39: {  	[tilespmem:s13+$0x6090] =	vst v1  }
0x3a: {  	[tilespmem:s13+$0x60A0] =	vst v1  }
0x3b: {  	[tilespmem:s13+$0x60B0] =	vst v1  }
0x3c: {  	[tilespmem:s13+$0x60C0] =	vst v1  }
0x3d: {  	[tilespmem:s13+$0x60D0] =	vst v1  }
0x3e: {  	s12 =	simm.s32 $0x0;
	[tilespmem:s13+$0x60E0] =	vst v1;
	s13 =	simm.s32 $0x0  }
.LBB2_4:
0x3f: {  	v16 =	vmov s13  }
0x40: {  	v16 =	vmul.u32 $0xC0, v16;
	_ =	sdelay $0x1  }
0x41: {  	v16 =	vbroadcast v16, $0x0;
	_ =	sdelay $0x1  }
0x42: {  	v17 =	vor.u32 v0, v16  }
0x43: {  	v18 =	vor.u32 v2, v16  }
0x44: {  	v19 =	vor.u32 v3, v16;
	_ =	sdelay $0x2  }
0x45: {  	v17 =	vld.idx.msk [tilespmem:v17+s12+$0x0], $0xffff  }
0x46: {  	v18 =	vld.idx.msk [tilespmem:v18+s12+$0x0], $0xffff  }
0x47: {  	v19 =	vld.idx.msk [tilespmem:v19+s12+$0x0], $0xffff;
	_ =	sdelay $0x3  }
0x48: {  	v17 =	vmax.f32 v17, v18  }
0x49: {  	v17 =	vmax.f32 v17, v19  }
0x4a: {  	v17 =	vmul.f32 v17, v12;
	_ =	sdelay $0x1  }
0x4b: {  	v17 =	vmul.f32 $2.550000000e+02, v17;
	_ =	sdelay $0x1  }
0x4c: {  	v17 =	vtrunc.f32 v17  }
0x4d: {  	v17 =	vcvt.f32.s32 v17;
	_ =	sdelay $0x1  }
0x4e: {  	vm0 =	vgt.s32 v17, $0x0  }
0x4f: {  	v17 =	vnsel vm0, $0x0, v17  }
0x50: {  	v17 =	vmin.u32 v17, $0xFF  }
0x51: {  	v17 =	vor.u32 v4, v17  }
0x52: {  	v52 =	vadd.s32 v6, v16  }
0x53: {  	v53 =	vadd.s32 v7, v16  }
0x54: {  	v20 =	vadd.s32 v8, v16;
	_ =	sdelay $0x1  }
0x55: {  	[tilespmem:v17+s9+$0x0] =	vst.idx.add.f32.msk $0xffff, v5  }
0x56: {  	v17 =	vld.idx.msk [tilespmem:v52+s12+$0x0], $0xffff  }
0x57: {  	v54 =	vld.idx.msk [tilespmem:v53+s12+$0x0], $0xffff  }
0x58: {  	v55 =	vld.idx.msk [tilespmem:v20+s12+$0x0], $0xffff;
	_ =	sdelay $0x3  }
0x59: {  	v17 =	vmax.f32 v17, v54  }
0x5a: {  	v17 =	vmax.f32 v17, v55  }
0x5b: {  	v17 =	vmul.f32 v17, v12;
	_ =	sdelay $0x1  }
0x5c: {  	v17 =	vmul.f32 $2.550000000e+02, v17;
	_ =	sdelay $0x1  }
0x5d: {  	v17 =	vtrunc.f32 v17  }
0x5e: {  	v17 =	vcvt.f32.s32 v17;
	_ =	sdelay $0x1  }
0x5f: {  	vm13 =	vgt.s32 v17, $0x0  }
0x60: {  	v17 =	vnsel vm13, $0x0, v17  }
0x61: {  	v17 =	vmin.u32 v17, $0xFF  }
0x62: {  	v17 =	vor.u32 v4, v17  }
0x63: {  	v56 =	vadd.s32 v9, v16  }
0x64: {  	v57 =	vadd.s32 v10, v16  }
0x65: {  	v58 =	vadd.s32 v11, v16;
	_ =	sdelay $0x1  }
0x66: {  	[tilespmem:v17+s9+$0x0] =	vst.idx.add.f32.msk $0xffff, v5  }
0x67: {  	v17 =	vld.idx.msk [tilespmem:v56+s12+$0x0], $0xffff  }
0x68: {  	v59 =	vld.idx.msk [tilespmem:v57+s12+$0x0], $0xffff  }
0x69: {  	v60 =	vld.idx.msk [tilespmem:v58+s12+$0x0], $0xffff;
	_ =	sdelay $0x3  }
0x6a: {  	v17 =	vmax.f32 v17, v59  }
0x6b: {  	v17 =	vmax.f32 v17, v60  }
0x6c: {  	v17 =	vmul.f32 v17, v12;
	_ =	sdelay $0x1  }
0x6d: {  	v17 =	vmul.f32 $2.550000000e+02, v17;
	_ =	sdelay $0x1  }
0x6e: {  	v17 =	vtrunc.f32 v17  }
0x6f: {  	v17 =	vcvt.f32.s32 v17;
	_ =	sdelay $0x1  }
0x70: {  	vm14 =	vgt.s32 v17, $0x0  }
0x71: {  	v17 =	vnsel vm14, $0x0, v17  }
0x72: {  	v17 =	vmin.u32 v17, $0xFF  }
0x73: {  	v17 =	vor.u32 v4, v17  }
0x74: {  	v61 =	vadd.s32 v13, v16  }
0x75: {  	v62 =	vadd.s32 v14, v16  }
0x76: {  	v16 =	vadd.s32 v15, v16;
	_ =	sdelay $0x1  }
0x77: {  	[tilespmem:v17+s9+$0x0] =	vst.idx.add.f32.msk $0xffff, v5  }
0x78: {  	v17 =	vld.idx.msk [tilespmem:v61+s12+$0x0], $0xffff  }
0x79: {  	v63 =	vld.idx.msk [tilespmem:v62+s12+$0x0], $0xffff  }
0x7a: {  	v16 =	vld.idx.msk [tilespmem:v16+s12+$0x0], $0xffff;
	_ =	sdelay $0x3  }
0x7b: {  	v17 =	vmax.f32 v17, v63  }
0x7c: {  	v16 =	vmax.f32 v17, v16  }
0x7d: {  	v16 =	vmul.f32 v16, v12;
	_ =	sdelay $0x1  }
0x7e: {  	v16 =	vmul.f32 $2.550000000e+02, v16;
	_ =	sdelay $0x1  }
0x7f: {  	v16 =	vtrunc.f32 v16  }
0x80: {  	v16 =	vcvt.f32.s32 v16;
	_ =	sdelay $0x1  }
0x81: {  	vm15 =	vgt.s32 v16, $0x0  }
0x82: {  	v16 =	vnsel vm15, $0x0, v16  }
0x83: {  	v16 =	vmin.u32 v16, $0xFF  }
0x84: {  	p0 =	sne.s32 s13, $0x7F;
	v16 =	vor.u32 v4, v16  }
.Ltmp1:
0x85: {  	_ = 	snop;
	(pc) =	sbr.rel @p0 .LBB2_4-.Ltmp1, $2  }
0x86: {  	_ =	sdelay $0x2  }
0x87: {  	s13 =	sadd.s32 $0x1, s13;
	[tilespmem:v16+s9+$0x0] =	vst.idx.add.f32.msk $0xffff, v5  }
0x88: {  	s13 =	simm.s32 $0x0  }
0x89: {  	v16 =	vld [tilespmem:s13+$0x6000];
	_ =	sdelay $0x1  }
0x8a: {  	v17 =	vld [tilespmem:s13+$0x6100];
	_ =	sdelay $0x1  }
0x8b: {  	v18 =	vld [tilespmem:s13+$0x6200]  }
0x8c: {  	v16 =	vadd.f32 $0.0e+00, v16  }
0x8d: {  	v19 =	vld [tilespmem:s13+$0x6300]  }
0x8e: {  	v16 =	vadd.f32 v17, v16  }
0x8f: {  	v17 =	vld [tilespmem:s13+$0x6400]  }
0x90: {  	v16 =	vadd.f32 v18, v16  }
0x91: {  	v18 =	vld [tilespmem:s13+$0x6500]  }
0x92: {  	v16 =	vadd.f32 v19, v16  }
0x93: {  	v19 =	vld [tilespmem:s13+$0x6600]  }
0x94: {  	v16 =	vadd.f32 v17, v16  }
0x95: {  	s12 =	simm.s32 $0x10;
	v17 =	vld [tilespmem:s13+$0x6700]  }
0x96: {  	v20 =	vld [tilespmem:s12+$0x6000];
	v16 =	vadd.f32 v18, v16  }
0x97: {  	v18 =	vld [tilespmem:s13+$0x6800]  }
0x98: {  	v21 =	vld [tilespmem:s12+$0x6100];
	v16 =	vadd.f32 v19, v16  }
0x99: {  	v19 =	vld [tilespmem:s13+$0x6900]  }
0x9a: {  	v22 =	vld [tilespmem:s12+$0x6200];
	v16 =	vadd.f32 v17, v16  }
0x9b: {  	v17 =	vld [tilespmem:s13+$0x6A00]  }
0x9c: {  	v23 =	vld [tilespmem:s12+$0x6300];
	v20 =	vadd.f32 $0.0e+00, v20;
	v16 =	vadd.f32 v18, v16  }
0x9d: {  	v18 =	vld [tilespmem:s13+$0x6B00]  }
0x9e: {  	v24 =	vld [tilespmem:s12+$0x6400];
	v20 =	vadd.f32 v21, v20;
	v16 =	vadd.f32 v19, v16  }
0x9f: {  	v21 =	vld [tilespmem:s13+$0x6C00]  }
0xa0: {  	v25 =	vld [tilespmem:s12+$0x6500];
	v19 =	vadd.f32 v22, v20;
	v16 =	vadd.f32 v17, v16  }
0xa1: {  	v22 =	vld [tilespmem:s13+$0x6D00]  }
0xa2: {  	v17 =	vadd.f32 v23, v19;
	v19 =	vld [tilespmem:s12+$0x6600];
	v18 =	vadd.f32 v18, v16  }
0xa3: {  	v16 =	vld [tilespmem:s13+$0x6E00]  }
0xa4: {  	v20 =	vld [tilespmem:s12+$0x6700];
	v23 =	vadd.f32 v24, v17;
	v63 =	vadd.f32 v21, v18  }
0xa5: {  	v17 =	vld [tilespmem:s13+$0x6F00]  }
0xa6: {  	s14 =	simm.s32 $0x20;
	s15 =	simm.s32 $0xC0;
	v21 =	vadd.f32 v25, v23;
	v18 =	vld [tilespmem:s12+$0x6800];
	v22 =	vadd.f32 v22, v63  }
.LBB2_6:
0xa7: {  	p0 =	sne.s32 s15, $0x3C0;
	v23 =	vld [tilespmem:s14+$0x6000]  }
0xa8: {  	v19 =	vadd.f32 v19, v21;
	v21 =	vld [tilespmem:s12+$0x6900];
	v16 =	vadd.f32 v16, v22  }
0xa9: {  	v22 =	vld [tilespmem:s14+$0x6100]  }
0xaa: {  	v19 =	vadd.f32 v20, v19;
	v20 =	vld [tilespmem:s12+$0x6A00];
	v16 =	vadd.f32 v17, v16  }
0xab: {  	v17 =	vld [tilespmem:s14+$0x6200]  }
0xac: {  	v23 =	vadd.f32 $0.0e+00, v23;
	v18 =	vadd.f32 v18, v19;
	v19 =	vld [tilespmem:s12+$0x6B00];
	[tilespmem:s13+$0x7000] =	vst v16;
	s13 =	smov.u32 s12;
	s12 =	smov.u32 s14  }
0xad: {  	v16 =	vld [tilespmem:s12+$0x6300]  }
0xae: {  	v22 =	vadd.f32 v22, v23;
	v18 =	vadd.f32 v21, v18;
	v21 =	vld [tilespmem:s13+$0x6C00]  }
0xaf: {  	v23 =	vld [tilespmem:s12+$0x6400]  }
0xb0: {  	v17 =	vadd.f32 v17, v22;
	v18 =	vadd.f32 v20, v18;
	v22 =	vld [tilespmem:s13+$0x6D00]  }
0xb1: {  	v24 =	vld [tilespmem:s12+$0x6500]  }
.Ltmp2:
0xb2: {  	v17 =	vadd.f32 v16, v17;
	v18 =	vadd.f32 v19, v18;
	v16 =	vld [tilespmem:s13+$0x6E00];
	(pc) =	sbr.rel @p0 .LBB2_6-.Ltmp2, $4  }
0xb3: {  	v19 =	vld [tilespmem:s12+$0x6600]  }
0xb4: {  	v23 =	vadd.f32 v23, v17;
	v25 =	vadd.f32 v21, v18;
	v17 =	vld [tilespmem:s13+$0x6F00]  }
0xb5: {  	v20 =	vld [tilespmem:s12+$0x6700]  }
0xb6: {  	s14 =	sshra.s32 s15, $0x2;
	s15 =	sadd.s32 $0x40, s15;
	v21 =	vadd.f32 v24, v23;
	v18 =	vld [tilespmem:s12+$0x6800];
	v22 =	vadd.f32 v22, v25  }
0xb7: {  	v23 =	vld [tilespmem:s14+$0x6000]  }
0xb8: {  	v24 =	vld [tilespmem:s12+$0x6900];
	v16 =	vadd.f32 v16, v22  }
0xb9: {  	v49 =	vld [tilespmem:s14+$0x6100]  }
0xba: {  	v25 =	vld [tilespmem:s12+$0x6A00];
	v19 =	vadd.f32 v19, v21;
	v16 =	vadd.f32 v17, v16  }
0xbb: {  	v17 =	vld [tilespmem:s14+$0x6200]  }
0xbc: {  	v50 =	vld [tilespmem:s12+$0x6B00];
	v19 =	vadd.f32 v20, v19;
	v51 =	vadd.f32 $0.0e+00, v23;
	[tilespmem:s13+$0x7000] =	vst v16  }
0xbd: {  	v16 =	vld [tilespmem:s14+$0x6300]  }
0xbe: {  	v18 =	vadd.f32 v18, v19;
	v52 =	vadd.f32 v49, v51  }
0xbf: {  	v53 =	vld [tilespmem:s14+$0x6400]  }
0xc0: {  	v54 =	vld [tilespmem:s12+$0x6C00];
	v18 =	vadd.f32 v24, v18;
	v17 =	vadd.f32 v17, v52  }
0xc1: {  	v55 =	vld [tilespmem:s14+$0x6500]  }
0xc2: {  	v56 =	vld [tilespmem:s12+$0x6D00];
	v18 =	vadd.f32 v25, v18;
	v16 =	vadd.f32 v16, v17  }
0xc3: {  	v17 =	vld [tilespmem:s14+$0x6600]  }
0xc4: {  	v57 =	vld [tilespmem:s12+$0x6E00];
	v18 =	vadd.f32 v50, v18;
	v16 =	vadd.f32 v53, v16  }
0xc5: {  	v58 =	vld [tilespmem:s14+$0x6700]  }
0xc6: {  	v59 =	vld [tilespmem:s12+$0x6F00];
	v18 =	vadd.f32 v54, v18;
	v16 =	vadd.f32 v55, v16  }
0xc7: {  	v60 =	vld [tilespmem:s14+$0x6800]  }
0xc8: {  	v18 =	vadd.f32 v56, v18;
	v16 =	vadd.f32 v17, v16  }
0xc9: {  	v17 =	vld [tilespmem:s14+$0x6900]  }
0xca: {  	v18 =	vadd.f32 v57, v18;
	v16 =	vadd.f32 v58, v16  }
0xcb: {  	v61 =	vld [tilespmem:s14+$0x6A00]  }
0xcc: {  	v18 =	vadd.f32 v59, v18;
	v16 =	vadd.f32 v60, v16  }
0xcd: {  	v62 =	vld [tilespmem:s14+$0x6B00]  }
0xce: {  	[tilespmem:s12+$0x7000] =	vst v18;
	v16 =	vadd.f32 v17, v16  }
0xcf: {  	v17 =	vld [tilespmem:s14+$0x6C00]  }
0xd0: {  	v16 =	vadd.f32 v61, v16  }
0xd1: {  	v18 =	vld [tilespmem:s14+$0x6D00]  }
0xd2: {  	v16 =	vadd.f32 v62, v16  }
0xd3: {  	v63 =	vld [tilespmem:s14+$0x6E00]  }
0xd4: {  	v16 =	vadd.f32 v17, v16  }
0xd5: {  	v17 =	vld [tilespmem:s14+$0x6F00]  }
0xd6: {  	v16 =	vadd.f32 v18, v16;
	_ =	sdelay $0x1  }
0xd7: {  	v16 =	vadd.f32 v63, v16;
	_ =	sdelay $0x1  }
0xd8: {  	s11 =	sadd.s32 $0x1, s11;
	v16 =	vadd.f32 v17, v16  }
0xd9: {  	p0 =	sne.s32 s11, s6  }
.Ltmp3:
0xda: {  	[tilespmem:s14+$0x7000] =	vst v16;
	(pc) =	sbr.rel @p0 .LBB2_1-.Ltmp3, $4  }
0xdb: {  	[hbm4b:s5+s2] =	stream.linear.scatter [tilespmem:s10], [sflag:$0x1], $0x100, $0x38;
	[tilespmem:$0x7100] =	vst v63  }
0xdc: {  	_ =	swait.ge [sflag:s3], $0x100  }
0xdd: {  	[sflag:s3] =	ssyncset.done $0x0  }
0xde: {  	[sflag:s3] =	ssyncadd.s32 $0xFFFFFF00  }
0xdf: {  	_ =	sfence.sel $0x180000  }
0xe0: {  	[bflag:$0x0] =	sbarrier.arrive $0xFFFF  }
0xe1: {  	p0 =	sne.s32 s0, $0x0;
	_ =	strace $0x90000047  }
0xe2: {  	s0 =	sadd.s32 @!p0 $0x100000, s1;
	[bflag:$0x2] =	sbarrier.arrive $0xFFFF  }
0xe3: {  	[sflag:s0] =	ssyncadd.tile.s32 @!p0 $0x1;
	_ =	shalt  }
.Lfunc_end2:
_tile_overlayer_lowered:
.L_overlay_start_2:
0xe4: {  	(tag) =	ssettag $0x2  }
0xe5: {  	s0 =	rddreg [dreg:$0x0];
	s2 =	stileid.u32  }
0xe6: {  	s1 =	rddreg [dreg:$0x1];
	p0 =	sne.s32 s2, $0x0  }
0xe7: {  	s3 =	rddreg [dreg:$0x2];
	[bflag:$0x3] =	sbarrier.arrive $0xFFFF;
	s2 =	simm.s32 @!p0 $0x1C01  }
0xe8: {  	[timem:s3], [sflag:s2] =	dma.local @!p0 [hbm:s0], s1  }
0xe9: {  	s0 =	simm.s32 @!p0 $0x1  }
0xea: {  	_ =	swait.ge @!p0 [sflag:s0], s1  }
0xeb: {  	s1 =	ssub.s32 @!p0 $0x0, s1;
	[sflag:s0] =	ssyncset.done @!p0 $0x0  }
0xec: {  	[sflag:s0] =	ssyncadd.s32 @!p0 s1  }
0xed: {  	[bflag:$0x3] =	sbarrier.arrive $0xFFFF  }
0xee: {  	_ =	shalt  }

// kernel: kernel.7.cloned.1.call-start
scs
__scs_entry_jumppad:
0x0: {  	(pc) =	sbr.rel $0x88, $3  }
0x1: {  	(tag) =	ssettag $0x0;
	lr =	simm.s32 $0x1  }
0x2: {  	[smem:$0x3FA0] =	sst lr;
	_ =	strace $0xD0000000  }
0x3: {  	_ = 	snop  }
0x4: {  	_ = 	snop  }
0x5: {  	_ = 	snop  }
0x6: {  	_ = 	snop  }
0x7: {  	_ = 	snop  }
__scs_overlays_trampoline_lowered:
0x8: {  	[smem:$0x3FAF] =	sst s0  }
0x9: {  	[smem:$0x3FB0] =	sst s1  }
0xa: {  	[smem:$0x3FB1] =	sst s2  }
0xb: {  	[smem:$0x3FB2] =	sst s3  }
0xc: {  	[smem:$0x3FB3] =	sst s4  }
0xd: {  	[smem:$0x3FB4] =	sst s5  }
0xe: {  	[smem:$0x3FB5] =	sst s6  }
0xf: {  	[smem:$0x3FB6] =	sst s7  }
0x10: {  	[smem:$0x3FB7] =	sst s8  }
0x11: {  	[smem:$0x3FB8] =	sst s9;
	s0 =	simm.s32 @!p0 $0x0  }
0x12: {  	s1 =	sld [smem:$0x3F9E];
	s0 =	simm.s32 @p0 $0x1  }
0x13: {  	[smem:$0x3FB9] =	sst s0;
	s0 =	simm.s32 @!p1 $0x0  }
0x14: {  	s2 =	sld [smem:$0x3F9D];
	s0 =	simm.s32 @p1 $0x1  }
0x15: {  	[smem:$0x3FBA] =	sst s0;
	s0 =	simm.s32 @!p2 $0x0  }
0x16: {  	s3 =	sld [smem:$0x3FDB];
	s0 =	simm.s32 @p2 $0x1  }
0x17: {  	s4 =	simm.s32 $0x1BF5;
	[smem:$0x3FBC] =	sst s0  }
0x18: {  	s0 =	sld [smem:$0x3F9F];
	_ =	swait.ge [sflag:s4], $0x0  }
0x19: {  	s7 =	sld [smem:$0x3FA0]  }
0x1a: {  	s8 =	sadd.s32 $0xFFFFE003, lr  }
0x1b: {  	s9 =	sadd.s32 $0xFFFFFEF7, lr;
	s5 =	simm.s32 $0xFFFFFFFF;
	p2 =	slt.u32 s8, $0xFFFFF086  }
0x1c: {  	p1 =	slt.u32 s9, $0xF7A;
	s5 =	simm.s32 @!p2 $0x0  }
0x1d: {  	s5 =	simm.s32 @p1 $0x1;
	p0 =	seq.s32 s7, s2  }
0x1e: {  	s7 =	smul.u32 @!p0 $0xF7A, s2;
	p2 =	seq.s32 @!p0 s5, $0x0  }
0x1f: {  	s9 =	smul.u32 $0xF7A, s1;
	s8 =	simm.s32 @!p0 $0x1BF5;
	p2 =	por !p2, p0  }
0x20: {  	[sflag:s8] =	ssyncset.s32 @!p0 $0xFFFFF086;
	s6 =	sadd.s32 @!p0 s3, s7;
	s7 =	simm.s32 @!p0 $0x108  }
0x21: {  	s3 =	sadd.s32 s3, s9;
	s6 =	sadd.s32 @!p0 $0x88, s6;
	s7 =	simm.s32 @p2 $0x1082  }
0x22: {  	[simem:s7], [sflag:s8] =	dma.local @!p0 [hbm:s6], $0xF7A  }
0x23: {  	s9 =	sor.u32 $0xD0000000, s2;
	s6 =	simm.s32 $0x108;
	_ =	swait.ge @!p0 [sflag:s8], $0x0  }
0x24: {  	s3 =	sadd.s32 $0x88, s3;
	s6 =	simm.s32 @!p1 $0x1082;
	[sflag:s4] =	ssyncset.s32 $0xFFFFF086  }
0x25: {  	[simem:s6], [sflag:s4] =	dma.local [hbm:s3], $0xF7A  }
0x26: {  	[smem:$0x3FA0] =	sst s1;
	(tag) =	ssettag s2;
	_ =	strace s9  }
0x27: {  	s1 =	sld [smem:$0x3FB0]  }
0x28: {  	s2 =	sld [smem:$0x3FB1]  }
0x29: {  	s4 =	sld [smem:$0x3FB3]  }
0x2a: {  	p0 =	seq.s32 s5, $0x0;
	s5 =	sld [smem:$0x3FB4]  }
0x2b: {  	s6 =	sld [smem:$0x3FB5]  }
0x2c: {  	s7 =	sld [smem:$0x3FB6]  }
0x2d: {  	s3 =	simm.s32 $0x108;
	s8 =	sld [smem:$0x3FB7]  }
0x2e: {  	s3 =	simm.s32 @!p0 $0x1082;
	s9 =	sld [smem:$0x3FB8]  }
0x2f: {  	lr =	sadd.s32 s0, s3;
	s0 =	sld [smem:$0x3FAF]  }
0x30: {  	s3 =	sld [smem:$0x3FB2]  }
0x31: {  	[smem:$0x3FBB] =	sst s10  }
0x32: {  	s10 =	sld [smem:$0x3FB9];
	_ =	sdelay $0x3  }
0x33: {  	p0 =	seq.s32 s10, $0x1;
	s10 =	sld [smem:$0x3FBB];
	_ =	sdelay $0x3  }
0x34: {  	[smem:$0x3FBB] =	sst s10  }
0x35: {  	s10 =	sld [smem:$0x3FBA];
	_ =	sdelay $0x3  }
0x36: {  	p1 =	seq.s32 s10, $0x1;
	s10 =	sld [smem:$0x3FBB];
	_ =	sdelay $0x3  }
0x37: {  	[smem:$0x3FBB] =	sst s10  }
0x38: {  	s10 =	sld [smem:$0x3FBC]  }
0x39: {  	_ = 	snop;
	(pc) =	sbr.ind lr, $3  }
0x3a: {  	_ = 	snop  }
0x3b: {  	_ = 	snop  }
0x3c: {  	p2 =	seq.s32 s10, $0x1;
	s10 =	sld [smem:$0x3FBB]  }
0x3d: {  	_ =	shalt  }
0x3e: {  	_ =	shalt  }
0x3f: {  	_ =	shalt  }
0x40: {  	_ =	shalt  }
0x41: {  	_ =	shalt  }
0x42: {  	_ =	shalt  }
0x43: {  	_ =	shalt  }
0x44: {  	_ =	shalt  }
0x45: {  	_ =	shalt  }
0x46: {  	_ =	shalt  }
0x47: {  	_ =	shalt  }
0x48: {  	_ =	shalt  }
0x49: {  	_ =	shalt  }
0x4a: {  	_ =	shalt  }
0x4b: {  	_ =	shalt  }
0x4c: {  	_ =	shalt  }
0x4d: {  	_ =	shalt  }
0x4e: {  	_ =	shalt  }
0x4f: {  	_ =	shalt  }
0x50: {  	_ =	shalt  }
0x51: {  	_ =	shalt  }
0x52: {  	_ =	shalt  }
0x53: {  	_ =	shalt  }
0x54: {  	_ =	shalt  }
0x55: {  	_ =	shalt  }
0x56: {  	_ =	shalt  }
0x57: {  	_ =	shalt  }
0x58: {  	_ =	shalt  }
0x59: {  	_ =	shalt  }
0x5a: {  	_ =	shalt  }
0x5b: {  	_ =	shalt  }
0x5c: {  	_ =	shalt  }
0x5d: {  	_ =	shalt  }
0x5e: {  	_ =	shalt  }
0x5f: {  	_ =	shalt  }
0x60: {  	_ =	shalt  }
0x61: {  	_ =	shalt  }
0x62: {  	_ =	shalt  }
0x63: {  	_ =	shalt  }
0x64: {  	_ =	shalt  }
0x65: {  	_ =	shalt  }
0x66: {  	_ =	shalt  }
0x67: {  	_ =	shalt  }
0x68: {  	_ =	shalt  }
0x69: {  	_ =	shalt  }
0x6a: {  	_ =	shalt  }
0x6b: {  	_ =	shalt  }
0x6c: {  	_ =	shalt  }
0x6d: {  	_ =	shalt  }
0x6e: {  	_ =	shalt  }
0x6f: {  	_ =	shalt  }
0x70: {  	_ =	shalt  }
0x71: {  	_ =	shalt  }
0x72: {  	_ =	shalt  }
0x73: {  	_ =	shalt  }
0x74: {  	_ =	shalt  }
0x75: {  	_ =	shalt  }
0x76: {  	_ =	shalt  }
0x77: {  	_ =	shalt  }
0x78: {  	_ =	shalt  }
0x79: {  	_ =	shalt  }
0x7a: {  	_ =	shalt  }
0x7b: {  	_ =	shalt  }
0x7c: {  	_ =	shalt  }
0x7d: {  	_ =	shalt  }
0x7e: {  	_ =	shalt  }
0x7f: {  	_ =	shalt  }
0x80: {  	_ =	shalt  }
0x81: {  	_ =	shalt  }
0x82: {  	_ =	shalt  }
0x83: {  	_ =	shalt  }
0x84: {  	_ =	shalt  }
0x85: {  	_ =	shalt  }
0x86: {  	_ =	shalt  }
0x87: {  	_ =	shalt  }
.Lfunc_end0:
.L_simem_size_0:
called_computation.1_lowered:
.L_overlay_start_0:
0x88: {  	s2 =	sld [smem:$0x3FD9]  }
0x89: {  	s3 =	sld [smem:$0x3FFE];
	_ =	sdelay $0x1  }
0x8a: {  	s1 =	srdreg.scid  }
0x8b: {  	s0 =	sand.u32 $0x1, s1  }
0x8c: {  	s17 =	sshll.u32 s0, $0xA;
	s2 =	sadd.s32 s3, s2  }
0x8d: {  	s2 =	sadd.s32 s2, s17  }
0x8e: {  	[smem:$0x3FC7] =	sst s2  }
0x8f: {  	_ = 	snop  }
0x90: {  	s2 =	sld [smem:$0x3FD0];
	(tm) =	ssettm $0x1  }
0x91: {  	s18 =	sld [smem:$0x3FFB];
	_ =	sdelay $0x3  }
0x92: {  	_ =	strace s18  }
0x93: {  	s3 =	sld [smem:$0x3FFC];
	_ =	sdelay $0x3  }
0x94: {  	_ =	strace s3  }
0x95: {  	s3 =	sld [smem:$0x3FFD];
	_ =	sdelay $0x3  }
0x96: {  	_ =	strace s3  }
0x97: {  	_ =	strace $0x8FFFFFFF  }
0x98: {  	s19 =	sld [smem:$0x3FDB];
	_ =	sdelay $0x1  }
0x99: {  	s4 =	simm.s32 $_scs_section_size  }
0x9a: {  	s5 =	simm.s32 $_size__tile_overlayer_lowered;
	s6 =	simm.s32 $_tile_overlayer_lowered  }
0x9b: {  	s22 =	simm.s32 $0x1BFF;
	s21 =	sshll.u32 s6, $0x1;
	s3 =	sadd.s32 s4, s19  }
0x9c: {  	s7 =	simm.s32 $0x0;
	s20 =	sshll.u32 s5, $0x1;
	s5 =	sadd.s32 s21, s3  }
0x9d: {  	[timem:s7], [sflag:s22] =	dma.local [hbm:s5], s20  }
0x9e: {  	_ =	swait.ge [sflag:s22], s20  }
0x9f: {  	s4 =	ssub.s32 $0x0, s20;
	[sflag:s22] =	ssyncset.done $0x0  }
0xa0: {  	[sflag:s22] =	ssyncadd.s32 s4;
	_ =	sdelay $0x1  }
0xa1: {  	s23 =	simm.s32 $0x1B8B  }
0xa2: {  	_ =	swait.ge [sflag:s23], $0x1  }
0xa3: {  	[sflag:s23] =	ssyncset.done $0x0  }
0xa4: {  	s25 =	simm.s32 $0x1B8E;
	s24 =	sld [smem:$0x3FFE];
	[sflag:s23] =	ssyncadd.s32 $0xFFFFFFFF  }
0xa5: {  	s26 =	simm.s32 $execute0_lowered;
	[smem:$0x3FD2] =	sst s25  }
0xa6: {  	s5 =	sshll.u32 s26, $0x1;
	_ =	strace $0x80000049;
	[dreg:$0x1] =	wrdreg $0xFFFFFFFF  }
0xa7: {  	s28 =	simm.s32 $_size_execute0_lowered;
	s3 =	sadd.s32 s3, s5;
	[dreg:$0x0] =	wrdreg $0x0  }
0xa8: {  	s5 =	sshll.u32 s28, $0x1;
	[dreg:$0x2] =	wrdreg s3  }
0xa9: {  	[dreg:$0x3] =	wrdreg s5  }
0xaa: {  	[dreg:$0x4] =	wrdreg $0xC0  }
0xab: {  	_ =	task [dreg:s7], $0x5FFFF  }
0xac: {  	[dreg:$0x1] =	wrdreg $0xFFFFFFFF  }
0xad: {  	[dreg:$0x0] =	wrdreg $0x60  }
0xae: {  	[dreg:$0x2] =	wrdreg s2  }
0xaf: {  	[dreg:$0x3] =	wrdreg s24  }
0xb0: {  	[dreg:$0x4] =	wrdreg $0x9  }
0xb1: {  	_ =	task.clear_ibuf [dreg:s7], $0x5FFFF;
	_ =	strace $0x90000049  }
0xb2: {  	s29 =	simm.s32 $0x9;
	_ =	strace $0x8000004B  }
0xb3: {  	_ =	swait.ge [sflag:s29], $0x1  }
0xb4: {  	[sflag:s29] =	ssyncadd.s32 $0xFFFFFFFF  }
0xb5: {  	_ =	strace $0x9000004B  }
0xb6: {  	_ =	sfence  }
0xb7: {  	s30 =	sld [smem:$0x0];
	_ =	sdelay $0x2  }
0xb8: {  	s31 =	sshll.u32 s1, $0xD;
	s1 =	sshrl.u32 s1, $0x2  }
0xb9: {  	s3 =	sand.u32 $0x4000, s31;
	s1 =	sadd.s32 s1, s30  }
0xba: {  	s0 =	sor.u32 s3, s0;
	s1 =	sshll.u32 s1, $0x11  }
0xbb: {  	s0 =	sor.u32 s1, s0  }
0xbc: {  	s0 =	sadd.s32 $0x8F2B, s0  }
0xbd: {  	[sflag:s0] =	ssyncadd.remote.s32 $0x1  }
0xbe: {  	_ =	sfence.sel $0xFFFF  }
0xbf: {  	[dreg:$0x0] =	wrdreg $0xFFFFFFFF;
	(pc) =	sbr.abs _section_cstart, $3  }
0xc0: {  	[dreg:$0x1] =	wrdreg $0xFFFFFFFF  }
0xc1: {  	_ =	task.clear_ibuf [dreg:s7], $0x2FFFF;
	_ =	strace $0x9FFFFFFF  }
0xc2: {  	(tm) =	ssettm $0x7FFFFFFF  }
0xc3: {  	_ =	shalt  }
tec
execute0_lowered:
.L_overlay_start_1:
0x0: {  	(tag) =	ssettag $0x1  }
0x1: {  	s0 =	srdreg.scid  }
0x2: {  	s4 =	sand.u32 $0x1, s0  }
0x3: {  	s0 =	stileid.u32;
	s1 =	sshll.u32 s4, $0x4  }
0x4: {  	s2 =	sand.u32 $0x1, s0;
	s1 =	sor.u32 s0, s1  }
0x5: {  	p1 =	seq.s32 s2, $0x1;
	p0 =	seq.s32 s1, $0x0  }
0x6: {  	p0 =	por !p0, !p1  }
0x7: {  	s2 =	simm.s32 $0x1;
	p0 =	por !p0, !p0  }
0x8: {  	s1 =	sshrl.u32 s1, $0x1;
	s2 =	simm.s32 @!p0 $0x0  }
0x9: {  	s1 =	ssub.s32 s1, s2  }
0xa: {  	s2 =	sshrl.u32 s1, $0xD  }
0xb: {  	s2 =	sand.u32 $0x3, s2  }
0xc: {  	s5 =	sadd.s32 s2, s1  }
0xd: {  	s2 =	sand.u32 $0xFFFFFFFC, s5  }
0xe: {  	s2 =	ssub.s32 s1, s2  }
0xf: {  	s6 =	sshll.u32 s0, $0x6;
	s3 =	sshll.u32 s2, $0x7  }
0x10: {  	s6 =	sand.u32 $0x40, s6;
	s3 =	sand.u32 $0x180, s3  }
0x11: {  	v12 =	vlaneseq.u32;
	s3 =	sor.u32 s6, s3  }
0x12: {  	v0 =	vor.u32 s3, v12;
	s6 =	sor.u32 $0x10, s3  }
0x13: {  	v0 =	vcvt.s32.f32 v0;
	v1 =	vor.u32 s6, v12  }
0x14: {  	v1 =	vcvt.s32.f32 v1  }
0x15: {  	v0 =	vadd.f32 $5.000000000e-01, v0  }
0x16: {  	v1 =	vadd.f32 $5.000000000e-01, v1  }
0x17: {  	v0 =	vmul.f32 $7.812500000e-03, v0  }
0x18: {  	v1 =	vmul.f32 $7.812500000e-03, v1  }
0x19: {  	s28 =	sor.u32 $0x20, s3;
	v0 =	vadd.f32 $-5.000000000e-01, v0  }
0x1a: {  	v4 =	vadd.f32 $-5.000000000e-01, v1;
	v1 =	vor.u32 s28, v12  }
0x1b: {  	v2 =	vtrunc.f32 v0;
	v1 =	vcvt.s32.f32 v1  }
0x1c: {  	v9 =	vimm.s32 $0x0;
	v3 =	vcvt.f32.s32 v2;
	vm0 =	vlt.f32 v0, v2  }
0x1d: {  	v6 =	vtrunc.f32 v4;
	v2 =	vsel vm0, $0xFFFFFFFF, v9;
	v1 =	vadd.f32 $5.000000000e-01, v1  }
0x1e: {  	v7 =	vcvt.f32.s32 v6;
	vm7 =	vlt.f32 v4, v6;
	v2 =	vadd.s32 v3, v2  }
0x1f: {  	vm5 =	vgt.s32 v2, $0x0;
	v3 =	vadd.s32 $0x1, v2;
	v6 =	vmul.f32 $7.812500000e-03, v1  }
0x20: {  	s29 =	sor.u32 $0x30, s3;
	v5 =	vnsel vm5, $0x0, v2;
	vm6 =	vgt.s32 v3, $0x0;
	v2 =	vcvt.s32.f32 v2  }
0x21: {  	v3 =	vnsel vm6, $0x0, v3;
	v8 =	vadd.f32 $-5.000000000e-01, v6;
	v6 =	vor.u32 s29, v12  }
0x22: {  	v12 =	vmul.u32 $0x3, v12;
	v0 =	vsub.f32 v0, v2;
	v2 =	vmin.u32 v5, $0x3  }
0x23: {  	v5 =	vsel vm7, $0xFFFFFFFF, v9;
	v3 =	vmin.u32 v3, $0x3;
	v6 =	vcvt.s32.f32 v6  }
0x24: {  	v5 =	vadd.s32 v7, v5;
	v1 =	vshll.u32 v2, $0x8;
	v2 =	vshll.u32 v3, $0x8  }
0x25: {  	v10 =	vtrunc.f32 v8;
	v17 =	vadd.s32 $0x1, v12;
	v18 =	vadd.s32 $0x2, v12  }
0x26: {  	v19 =	vadd.s32 $0x30, v12;
	v20 =	vadd.s32 $0x31, v12;
	v21 =	vadd.s32 $0x32, v12  }
0x27: {  	v22 =	vadd.s32 $0x60, v12;
	v23 =	vadd.s32 $0x61, v12;
	v24 =	vadd.s32 $0x62, v12  }
0x28: {  	v11 =	vcvt.f32.s32 v10;
	vm9 =	vlt.f32 v8, v10;
	v6 =	vadd.f32 $5.000000000e-01, v6  }
0x29: {  	v26 =	vadd.s32 $0x90, v12;
	v7 =	vcvt.s32.f32 v5;
	v10 =	vsel vm9, $0xFFFFFFFF, v9  }
0x2a: {  	v27 =	vadd.s32 $0x91, v12;
	v10 =	vadd.s32 v11, v10;
	v11 =	vmul.f32 $7.812500000e-03, v6  }
0x2b: {  	v28 =	vadd.s32 $0x92, v12;
	vm8 =	vgt.s32 v5, $0x0;
	v4 =	vsub.f32 v4, v7  }
0x2c: {  	s30 =	rddreg [dreg:$0x0];
	s2 =	sand.u32 $0xFF, s2;
	v7 =	vnsel vm8, $0x0, v5;
	v5 =	vadd.s32 $0x1, v5;
	v11 =	vadd.f32 $-5.000000000e-01, v11  }
0x2d: {  	s7 =	rddreg [dreg:$0x1];
	p6 =	sne.s32 s2, $0x0;
	s2 =	simm.s32 $0x0;
	v3 =	vsub.f32 $1.000000000e+00, v0;
	v7 =	vmin.u32 v7, $0x3;
	vm10 =	vgt.s32 v5, $0x0  }
0x2e: {  	[smem:$0x7FF] =	sst s2;
	v13 =	vcvt.s32.f32 v10;
	v5 =	vnsel vm10, $0x0, v5;
	v14 =	vtrunc.f32 v11  }
0x2f: {  	p5 =	slt.s32 s1, $0x1;
	s1 =	rddreg [dreg:$0x2];
	_ =	strace $0x8000004A;
	v15 =	vcvt.f32.s32 v14;
	vm13 =	vlt.f32 v11, v14;
	v14 =	vimm.f32 $2.550000000e+02  }
0x30: {  	p0 =	por !p5, !p6;
	vm11 =	vgt.s32 v10, $0x0;
	v6 =	vmin.u32 v5, $0x3;
	(erf) = vrcp.f32 v14  }
0x31: {  	s8 =	simm.s32 $0x1;
	p0 =	por !p0, !p0;
	v5 =	vshll.u32 v7, $0x8;
	v8 =	vsub.f32 v8, v13;
	v13 =	vadd.s32 $0x1, v10  }
0x32: {  	s5 =	sshrl.u32 s5, $0x2;
	s8 =	simm.s32 @!p0 $0x0;
	v7 =	vsub.f32 $1.000000000e+00, v4;
	v10 =	vnsel vm11, $0x0, v10;
	vm12 =	vgt.s32 v13, $0x0  }
0x33: {  	s3 =	smul.u32 $0x3, s3;
	s5 =	ssub.s32 s5, s8;
	v6 =	vshll.u32 v6, $0x8;
	v13 =	vnsel vm12, $0x0, v13;
	v9 =	vsel vm13, $0xFFFFFFFF, v9  }
0x34: {  	s10 =	simm.s32 $0xE000;
	s5 =	smul.u32 $0x30000, s5;
	v10 =	vmin.u32 v10, $0x3;
	v13 =	vmin.u32 v13, $0x3;
	v15 =	vadd.s32 v15, v9  }
0x35: {  	s11 =	simm.s32 $0x6000;
	s12 =	simm.s32 $0x0;
	s31 =	ssub.s32 $0x2, s4;
	v9 =	vshll.u32 v10, $0x8;
	v14 =	vcvt.s32.f32 v15;
	v16 =	vadd.s32 $0x1, v15  }
0x36: {  	s4 =	simm.s32 $0x1;
	s9 =	sshrl.u32 s31, $0x1;
	s5 =	sor.u32 s3, s5;
	v10 =	vshll.u32 v13, $0x8;
	vm14 =	vgt.s32 v15, $0x0;
	vm15 =	vgt.s32 v16, $0x0  }
0x37: {  	s8 =	ssub.s32 s31, s9;
	s9 =	simm.s32 $0x600;
	s5 =	sshrl.u32 s5, $0x3;
	v15 =	vnsel vm14, $0x0, v15;
	v11 =	vsub.f32 v11, v14;
	v13 =	vnsel vm15, $0x0, v16  }
0x38: {  	s3 =	sadd.s32 $0x800, s7;
	s7 =	sadd.s32 s5, s7;
	s5 =	sadd.s32 s30, s5;
	v14 =	vmin.u32 v15, $0x3;
	v15 =	vmin.u32 v13, $0x3;
	v13 =	vsub.f32 $1.000000000e+00, v8  }
0x39: {  	s6 =	sadd.s32 $0xC00, s7;
	s7 =	smax.u32 s8, $0x1;
	s8 =	simm.s32 $0xC0;
	v14 =	vshll.u32 v14, $0x8;
	v15 =	vshll.u32 v15, $0x8;
	v16 =	vsub.f32 $1.000000000e+00, v11;
	v25 =	vpop (erf)  }
.LBB2_1:
0x3a: {  	s13 =	simm.s32 $0xC000  }
0x3b: {  	[tilespmem:s13], [sflag:$0x1] =	stream.linear.gather [hbm4b:s3+s2], $0x2000, $0x38;
	[tilespmem:$0xF000] =	vst v63  }
0x3c: {  	_ =	swait.ge [sflag:s4], $0x2000  }
0x3d: {  	[sflag:s4] =	ssyncset.done $0x0  }
0x3e: {  	[sflag:s4] =	ssyncadd.s32 $0xFFFFE000  }
0x3f: {  	[tilespmem:s2], [sflag:$0x1] =	stream.strided.gather [hbm4b:s5+s8], $0x6000, s9, s8, $0x38;
	[tilespmem:$0xF000] =	vst v63  }
0x40: {  	_ =	swait.ge [sflag:s4], $0x6000  }
0x41: {  	[sflag:s4] =	ssyncset.done $0x0  }
0x42: {  	s14 =	simm.s32 $0xE000;
	s15 =	simm.s32 $0x0;
	[sflag:s4] =	ssyncadd.s32 $0xFFFFA000  }
.LBB2_2:
0x43: {  	v29 =	vmov s13;
	_ =	sdelay $0x3  }
0x44: {  	s16 =	simm.s32 $0x0  }
0x45: {  	v30 =	vld.idx.msk [tilespmem:v29+s16+$0x0 ss:$0x1], $0xffff  }
0x46: {  	v31 =	vld.idx.msk [tilespmem:v29+s16+$0x100 ss:$0x1], $0xffff  }
0x47: {  	s28 =	simm.s32 $0x10  }
0x48: {  	v32 =	vld.idx.msk [tilespmem:v29+s28+$0x0 ss:$0x1], $0xffff  }
0x49: {  	s29 =	simm.s32 $0x20;
	v33 =	vld.idx.msk [tilespmem:v29+s28+$0x100 ss:$0x1], $0xffff  }
0x4a: {  	v34 =	vld.idx.msk [tilespmem:v29+s29+$0x0 ss:$0x1], $0xffff  }
0x4b: {  	v35 =	vld.idx.msk [tilespmem:v29+s29+$0x100 ss:$0x1], $0xffff;
	v30 =	vadd.f32 v31, v30;
	_ =	sdelay $0x1  }
0x4c: {  	v30 =	vmin.f32 v30, $9.600000000e+01  }
0x4d: {  	(xrf2) =	vadd.scan.msk.f32 $0xffff, v30  }
0x4e: {  	v31 =	vadd.f32 v33, v32  }
0x4f: {  	v60 =	vadd.f32 v35, v34  }
0x50: {  	s30 =	simm.s32 $0x30;
	v30 =	vmin.f32 v31, $9.600000000e+01  }
0x51: {  	v31 =	vld.idx.msk [tilespmem:v29+s30+$0x0 ss:$0x1], $0xffff;
	(xrf2) =	vadd.scan.msk.f32 $0xffff, v30;
	v30 =	vmin.f32 v60, $9.600000000e+01  }
0x52: {  	(xrf2) =	vadd.scan.msk.f32 $0xffff, v30;
	v30 =	vld.idx.msk [tilespmem:v29+s30+$0x100 ss:$0x1], $0xffff;
	_ =	sdelay $0x4  }
0x53: {  	v30 =	vadd.f32 v30, v31;
	v31, _, _ =	vpop (xrf2)  }
0x54: {  	s31 =	simm.s32 $0x40;
	(v2sf) =	vpush v31, $0xF  }
0x55: {  	v61 =	vld.idx.msk [tilespmem:v29+s31+$0x0 ss:$0x1], $0xffff  }
0x56: {  	v62 =	vld.idx.msk [tilespmem:v29+s31+$0x100 ss:$0x1], $0xffff  }
0x57: {  	v31, _, _ =	vpop (xrf2)  }
0x58: {  	(v2sf) =	vpush v31, $0xF;
	v63, _, _ =	vpop (xrf2)  }
0x59: {  	(v2sf) =	vpush v63, $0xF  }
0x5a: {  	v30 =	vmin.f32 v30, $9.600000000e+01  }
0x5b: {  	v32 =	vadd.f32 v62, v61;
	(xrf2) =	vadd.scan.msk.f32 $0xffff, v30;
	_ =	sdelay $0x1  }
0x5c: {  	s18 =	simm.s32 $0x50;
	v32 =	vmin.f32 v32, $9.600000000e+01  }
0x5d: {  	v30 =	vld.idx.msk [tilespmem:v29+s18+$0x0 ss:$0x1], $0xffff;
	(xrf2) =	vadd.scan.msk.f32 $0xffff, v32  }
0x5e: {  	v31 =	vld.idx.msk [tilespmem:v29+s18+$0x100 ss:$0x1], $0xffff;
	_ =	sdelay $0x1  }
0x5f: {  	s17 =	simm.s32 $0x1C0;
	s16 =	simm.f32 $0.0e+00;
	s18 =	simm.s32 $0x60  }
.LBB2_3:
0x60: {  	p0 =	sne.s32 s17, $0x3C0  }
0x61: {  	s19 =	spop (v2sf);
	v32 =	vmov v30;
	v30 =	vld.idx.msk [tilespmem:v29+s18+$0x0 ss:$0x1], $0xffff;
	s20 =	smov.u32 s17;
	s17 =	sadd.s32 $0x40, s17  }
.Ltmp0:
0x62: {  	v32 =	vadd.f32 v31, v32;
	v31 =	vld.idx.msk [tilespmem:v29+s18+$0x100 ss:$0x1], $0xffff;
	s16 =	sadd.f32 s19, s16;
	(pc) =	sbr.rel @p0 .LBB2_3-.Ltmp0, $4  }
0x63: {  	v33, _, _ =	vpop (xrf2)  }
0x64: {  	v32 =	vmin.f32 v32, $9.600000000e+01;
	(v2sf) =	vpush v33, $0xF  }
0x65: {  	(xrf2) =	vadd.scan.msk.f32 $0xffff, v32  }
0x66: {  	s18 =	sshra.s32 s20, $0x2  }
0x67: {  	_ =	sdelay $0x3  }
0x68: {  	v32 =	vld.idx.msk [tilespmem:v29+s18+$0x0 ss:$0x1], $0xffff  }
0x69: {  	v33 =	vld.idx.msk [tilespmem:v29+s18+$0x100 ss:$0x1], $0xffff;
	_ =	sdelay $0x2  }
0x6a: {  	v30 =	vadd.f32 v31, v30;
	_ =	sdelay $0x1  }
0x6b: {  	v30 =	vmin.f32 v30, $9.600000000e+01;
	v31 =	vadd.f32 v33, v32  }
0x6c: {  	(xrf2) =	vadd.scan.msk.f32 $0xffff, v30  }
0x6d: {  	v30 =	vmin.f32 v31, $9.600000000e+01  }
0x6e: {  	(xrf2) =	vadd.scan.msk.f32 $0xffff, v30;
	_ =	sdelay $0x3  }
0x6f: {  	v30, _, _ =	vpop (xrf2)  }
0x70: {  	(v2sf) =	vpush v30, $0xF  }
0x71: {  	v30, _, _ =	vpop (xrf2)  }
0x72: {  	(v2sf) =	vpush v30, $0xF  }
0x73: {  	v30, _, _ =	vpop (xrf2)  }
0x74: {  	(v2sf) =	vpush v30, $0xF  }
0x75: {  	v30, _, _ =	vpop (xrf2)  }
0x76: {  	(v2sf) =	vpush v30, $0xF;
	_ =	sdelay $0x2  }
0x77: {  	s17 =	spop (v2sf)  }
0x78: {  	s16 =	sadd.f32 s17, s16  }
0x79: {  	s24 =	spop (v2sf)  }
0x7a: {  	s16 =	sadd.f32 s24, s16  }
0x7b: {  	s25 =	spop (v2sf)  }
0x7c: {  	s16 =	sadd.f32 s25, s16  }
0x7d: {  	s26 =	spop (v2sf)  }
0x7e: {  	s16 =	sadd.f32 s26, s16  }
0x7f: {  	s28 =	spop (v2sf)  }
0x80: {  	s16 =	sadd.f32 s28, s16  }
0x81: {  	s30 =	simm.s32 $0x0;
	s29 =	spop (v2sf)  }
0x82: {  	v31 =	vld.idx.msk [tilespmem:v29+s30+$0x0 ss:$0x1], $0xffff;
	s16 =	sadd.f32 s29, s16  }
0x83: {  	v30 =	vld.idx.msk [tilespmem:v29+s30+$0x100 ss:$0x1], $0xffff;
	s31 =	spop (v2sf)  }
0x84: {  	s16 =	sadd.f32 s31, s16;
	_ =	sdelay $0x1  }
0x85: {  	s16 =	ssub.f32 $1.638400000e+04, s16;
	_ =	sdelay $0x1  }
0x86: {  	v30 =	vadd.f32 v30, v31;
	s16 =	smul.f32 $3.906250000e-03, s16;
	_ =	sdelay $0x1  }
0x87: {  	v30 =	vmin.f32 v30, $9.600000000e+01;
	v31 =	vmov s16  }
0x88: {  	v30 =	vadd.f32 v30, v31;
	_ =	sdelay $0x1  }
0x89: {  	(xrf2) =	vadd.scan.msk.f32 $0xffff, v30;
	_ =	sdelay $0x9  }
0x8a: {  	s16 =	simm.f32 $0.0e+00;
	v62, _, _ =	vpop (xrf2)  }
0x8b: {  	v30 =	vadd.f32 s16, v62;
	(v2sf) =	vpush v62, $0xF;
	_ =	sdelay $0x1  }
0x8c: {  	v30 =	vmul.f32 $1.556396480e-02, v30;
	_ =	sdelay $0x1  }
0x8d: {  	v30 =	vtrunc.f32 v30  }
0x8e: {  	v63 =	vcvt.f32.s32 v30  }
0x8f: {  	v30 =	vmov s14  }
0x90: {  	v33 =	vcvt.s32.f32 v63;
	_ =	sdelay $0x1  }
0x91: {  	v33 =	vmax.f32 v33, $0.0e+00  }
0x92: {  	v33 =	vmin.f32 v33, $2.550000000e+02  }
0x93: {  	s17 =	simm.s32 $0x10;
	[tilespmem:v30+s30+$0x0 ss:$0x1] =	vst.idx.msk $0xffff, v33  }
0x94: {  	s18 =	simm.s32 $0x80;
	v32 =	vld.idx.msk [tilespmem:v29+s17+$0x100 ss:$0x1], $0xffff  }
.LBB2_5:
0x95: {  	p0 =	sne.s32 s18, $0x3C0;
	v33 =	vld.idx.msk [tilespmem:v29+s17+$0x0 ss:$0x1], $0xffff;
	_ =	sdelay $0x1  }
0x96: {  	s19 =	spop (v2sf)  }
0x97: {  	s16 =	sadd.f32 s19, s16;
	_ =	sdelay $0x2  }
0x98: {  	v32 =	vadd.f32 v32, v33;
	_ =	sdelay $0x1  }
0x99: {  	v32 =	vmin.f32 v32, $9.600000000e+01  }
0x9a: {  	v32 =	vadd.f32 v32, v31;
	_ =	sdelay $0x1  }
0x9b: {  	(xrf2) =	vadd.scan.msk.f32 $0xffff, v32;
	_ =	sdelay $0x9  }
0x9c: {  	v32, _, _ =	vpop (xrf2)  }
0x9d: {  	v33 =	vadd.f32 s16, v32;
	(v2sf) =	vpush v32, $0xF;
	_ =	sdelay $0x1  }
0x9e: {  	v32 =	vmul.f32 $1.556396480e-02, v33;
	_ =	sdelay $0x1  }
0x9f: {  	v32 =	vtrunc.f32 v32  }
0xa0: {  	v32 =	vcvt.f32.s32 v32;
	_ =	sdelay $0x1  }
0xa1: {  	v32 =	vcvt.s32.f32 v32  }
.Ltmp1:
0xa2: {  	(pc) =	sbr.rel @p0 .LBB2_5-.Ltmp1, $4  }
0xa3: {  	v32 =	vmax.f32 v32, $0.0e+00  }
0xa4: {  	v32 =	vmin.f32 v32, $2.550000000e+02  }
0xa5: {  	[tilespmem:v30+s17+$0x0 ss:$0x1] =	vst.idx.msk $0xffff, v32;
	s17 =	sshra.s32 s18, $0x2  }
0xa6: {  	s18 =	sadd.s32 $0x40, s18;
	v32 =	vld.idx.msk [tilespmem:v29+s17+$0x100 ss:$0x1], $0xffff  }
0xa7: {  	_ =	sdelay $0x3  }
0xa8: {  	v29 =	vld.idx.msk [tilespmem:v29+s17+$0x0 ss:$0x1], $0xffff;
	_ =	sdelay $0x4  }
0xa9: {  	v29 =	vadd.f32 v32, v29;
	_ =	sdelay $0x1  }
0xaa: {  	v29 =	vmin.f32 v29, $9.600000000e+01  }
0xab: {  	v29 =	vadd.f32 v29, v31;
	_ =	sdelay $0x1  }
0xac: {  	(xrf2) =	vadd.scan.msk.f32 $0xffff, v29;
	_ =	sdelay $0x9  }
0xad: {  	v29, _, _ =	vpop (xrf2)  }
0xae: {  	(v2sf) =	vpush v29, $0xF  }
0xaf: {  	s18 =	spop (v2sf)  }
0xb0: {  	s16 =	sadd.f32 s18, s16;
	_ =	sdelay $0x1  }
0xb1: {  	v29 =	vadd.f32 s16, v29;
	_ =	sdelay $0x1  }
0xb2: {  	v29 =	vmul.f32 $1.556396480e-02, v29;
	_ =	sdelay $0x1  }
0xb3: {  	v29 =	vtrunc.f32 v29  }
0xb4: {  	s15 =	sadd.s32 $0x1, s15;
	v29 =	vcvt.f32.s32 v29  }
0xb5: {  	p0 =	sne.s32 s15, $0x10  }
.Ltmp2:
0xb6: {  	v29 =	vcvt.s32.f32 v29;
	(pc) =	sbr.rel @p0 .LBB2_2-.Ltmp2, $4  }
0xb7: {  	_ = 	snop  }
0xb8: {  	v29 =	vmax.f32 v29, $0.0e+00  }
0xb9: {  	v29 =	vmin.f32 v29, $2.550000000e+02  }
0xba: {  	s13 =	sadd.s32 $0x200, s13;
	s14 =	sadd.s32 $0x100, s14;
	[tilespmem:v30+s17+$0x0 ss:$0x1] =	vst.idx.msk $0xffff, v29;
	s31 =	spop (v2sf)  }
0xbb: {  	s13 =	simm.s32 $0x0  }
.LBB2_8:
0xbc: {  	v29 =	vmov s13  }
0xbd: {  	v29 =	vmul.u32 $0xC0, v29;
	_ =	sdelay $0x1  }
0xbe: {  	v29 =	vbroadcast v29, $0x0;
	_ =	sdelay $0x1  }
0xbf: {  	v30 =	vor.u32 v12, v29  }
0xc0: {  	v31 =	vor.u32 v17, v29  }
0xc1: {  	v32 =	vor.u32 v18, v29;
	_ =	sdelay $0x1  }
0xc2: {  	s14 =	scvt.s32.f32 s13  }
0xc3: {  	v33 =	vld.idx.msk [tilespmem:v30+s2+$0x0], $0xffff  }
0xc4: {  	s14 =	sadd.f32 $5.000000000e-01, s14;
	v34 =	vld.idx.msk [tilespmem:v31+s2+$0x0], $0xffff  }
0xc5: {  	v35 =	vld.idx.msk [tilespmem:v32+s2+$0x0], $0xffff  }
0xc6: {  	s14 =	smul.f32 $7.812500000e-03, s14;
	_ =	sdelay $0x1  }
0xc7: {  	s14 =	sadd.f32 $-5.000000000e-01, s14  }
0xc8: {  	v36 =	vmax.f32 v33, v34  }
0xc9: {  	s15 =	scvt.f32.s32 s14;
	v36 =	vmax.f32 v36, v35  }
0xca: {  	v36 =	vmul.f32 v36, v25  }
0xcb: {  	s16 =	scvt.s32.f32 s15  }
0xcc: {  	v37 =	vmul.f32 $2.550000000e+02, v36  }
0xcd: {  	p0 =	slt.f32 s14, s16  }
0xce: {  	s16 =	simm.s32 $0x1;
	v37 =	vtrunc.f32 v37  }
0xcf: {  	s16 =	simm.s32 @!p0 $0x0;
	v37 =	vcvt.f32.s32 v37  }
0xd0: {  	s15 =	ssub.s32 s15, s16  }
0xd1: {  	p0 =	sgt.s32 s15, $0x0;
	vm0 =	vgt.s32 v37, $0x0  }
0xd2: {  	s17 =	scvt.s32.f32 s15;
	s16 =	sadd.s32 $0x1, s15;
	s15 =	simm.s32 @!p0 $0x0;
	v37 =	vnsel vm0, $0x0, v37  }
0xd3: {  	s15 =	smin.u32 s15, $0x3;
	v37 =	vmin.u32 v37, $0xFF  }
0xd4: {  	p0 =	sgt.s32 s16, $0x0;
	s15 =	sshll.u32 s15, $0xA;
	v38 =	vor.u32 v1, v37  }
0xd5: {  	s16 =	simm.s32 @!p0 $0x0;
	v37 =	vor.u32 v2, v37;
	v39 =	vor.u32 s15, v38  }
0xd6: {  	s16 =	smin.u32 s16, $0x3;
	v40 =	vor.u32 s15, v37  }
0xd7: {  	s16 =	sshll.u32 s16, $0xA  }
0xd8: {  	v38 =	vor.u32 s16, v38;
	_ =	sdelay $0x1  }
0xd9: {  	s14 =	ssub.f32 s14, s17;
	v37 =	vor.u32 s16, v37;
	v39 =	vld.idx.msk [tilespmem:v39+s10+$0x0], $0xffff  }
0xda: {  	v40 =	vld.idx.msk [tilespmem:v40+s10+$0x0], $0xffff  }
0xdb: {  	s17 =	ssub.f32 $1.000000000e+00, s14  }
0xdc: {  	v38 =	vld.idx.msk [tilespmem:v38+s10+$0x0], $0xffff  }
0xdd: {  	v41 =	vmul.f32 s17, v3;
	v42 =	vmul.f32 s17, v0  }
0xde: {  	(erf) = vrcp.f32 v36;
	v62 =	vmul.f32 s14, v3;
	v37 =	vld.idx.msk [tilespmem:v37+s10+$0x0], $0xffff  }
0xdf: {  	v39 =	vmul.f32 v39, v41;
	v40 =	vmul.f32 v40, v42;
	_ =	sdelay $0x1  }
0xe0: {  	v63 =	vmul.f32 s14, v0;
	v38 =	vmul.f32 v38, v62;
	v39 =	vadd.f32 v40, v39;
	_ =	sdelay $0x1  }
0xe1: {  	v37 =	vmul.f32 v37, v63;
	v38 =	vadd.f32 v38, v39;
	_ =	sdelay $0x1  }
0xe2: {  	v37 =	vadd.f32 v37, v38;
	_ =	sdelay $0x1  }
0xe3: {  	v37 =	vmul.f32 v37, v25  }
0xe4: {  	v44 =	vpop (erf)  }
0xe5: {  	v38 =	vmul.f32 v37, v44;
	_ =	sdelay $0x1  }
0xe6: {  	v38 =	vmul.f32 $3.921568860e-03, v38;
	_ =	sdelay $0x1  }
0xe7: {  	v33 =	vmul.f32 v38, v33  }
0xe8: {  	v45 =	vadd.s32 v19, v29;
	vm9 =	vgt.f32 v36, $0.0e+00;
	v34 =	vmul.f32 v38, v34  }
0xe9: {  	v46 =	vadd.s32 v20, v29;
	v35 =	vmul.f32 v38, v35;
	v33 =	vsel vm9, v33, v37  }
0xea: {  	v47 =	vadd.s32 v21, v29;
	[tilespmem:v30+s11+$0x0] =	vst.idx.msk $0xffff, v33;
	v30 =	vsel vm9, v34, v37  }
0xeb: {  	[tilespmem:v31+s11+$0x0] =	vst.idx.msk $0xffff, v30;
	v30 =	vsel vm9, v35, v37  }
0xec: {  	[tilespmem:v32+s11+$0x0] =	vst.idx.msk $0xffff, v30  }
0xed: {  	v30 =	vld.idx.msk [tilespmem:v45+s2+$0x0], $0xffff  }
0xee: {  	v31 =	vld.idx.msk [tilespmem:v46+s2+$0x0], $0xffff  }
0xef: {  	v32 =	vld.idx.msk [tilespmem:v47+s2+$0x0], $0xffff;
	_ =	sdelay $0x3  }
0xf0: {  	v48 =	vmax.f32 v30, v31  }
0xf1: {  	v34 =	vmax.f32 v48, v32  }
0xf2: {  	v34 =	vmul.f32 v34, v25;
	_ =	sdelay $0x1  }
0xf3: {  	v49 =	vmul.f32 $2.550000000e+02, v34;
	_ =	sdelay $0x1  }
0xf4: {  	v35 =	vtrunc.f32 v49  }
0xf5: {  	v35 =	vcvt.f32.s32 v35;
	_ =	sdelay $0x1  }
0xf6: {  	vm10 =	vgt.s32 v35, $0x0  }
0xf7: {  	v35 =	vnsel vm10, $0x0, v35  }
0xf8: {  	v35 =	vmin.u32 v35, $0xFF  }
0xf9: {  	v50 =	vor.u32 v5, v35  }
0xfa: {  	v35 =	vor.u32 v6, v35;
	v51 =	vor.u32 s15, v50  }
0xfb: {  	v52 =	vor.u32 s15, v35;
	_ =	sdelay $0x1  }
0xfc: {  	v37 =	vor.u32 s16, v50;
	_ =	sdelay $0x1  }
0xfd: {  	v35 =	vor.u32 s16, v35;
	v39 =	vld.idx.msk [tilespmem:v51+s10+$0x0], $0xffff  }
0xfe: {  	v40 =	vld.idx.msk [tilespmem:v52+s10+$0x0], $0xffff;
	_ =	sdelay $0x1  }
0xff: {  	v37 =	vld.idx.msk [tilespmem:v37+s10+$0x0], $0xffff  }
0x100: {  	v53 =	vmul.f32 s17, v7;
	v54 =	vmul.f32 s17, v4  }
0x101: {  	v55 =	vmul.f32 s14, v7;
	(erf) = vrcp.f32 v34;
	v35 =	vld.idx.msk [tilespmem:v35+s10+$0x0], $0xffff  }
0x102: {  	v39 =	vmul.f32 v39, v53;
	v40 =	vmul.f32 v40, v54;
	_ =	sdelay $0x1  }
0x103: {  	v56 =	vmul.f32 s14, v4;
	v37 =	vmul.f32 v37, v55;
	v39 =	vadd.f32 v40, v39;
	_ =	sdelay $0x1  }
0x104: {  	v35 =	vmul.f32 v35, v56;
	v37 =	vadd.f32 v37, v39;
	_ =	sdelay $0x1  }
0x105: {  	v35 =	vadd.f32 v35, v37;
	_ =	sdelay $0x1  }
0x106: {  	v35 =	vmul.f32 v35, v25  }
0x107: {  	v57 =	vpop (erf)  }
0x108: {  	v37 =	vmul.f32 v35, v57;
	_ =	sdelay $0x1  }
0x109: {  	v37 =	vmul.f32 $3.921568860e-03, v37;
	_ =	sdelay $0x1  }
0x10a: {  	v30 =	vmul.f32 v37, v30  }
0x10b: {  	v58 =	vadd.s32 v22, v29;
	vm11 =	vgt.f32 v34, $0.0e+00;
	v31 =	vmul.f32 v37, v31  }
0x10c: {  	v59 =	vadd.s32 v23, v29;
	v32 =	vmul.f32 v37, v32;
	v30 =	vsel vm11, v30, v35  }
0x10d: {  	[tilespmem:v45+s11+$0x0] =	vst.idx.msk $0xffff, v30;
	v30 =	vsel vm11, v31, v35;
	v31 =	vadd.s32 v24, v29  }
0x10e: {  	[tilespmem:v46+s11+$0x0] =	vst.idx.msk $0xffff, v30;
	v30 =	vsel vm11, v32, v35  }
0x10f: {  	[tilespmem:v47+s11+$0x0] =	vst.idx.msk $0xffff, v30  }
0x110: {  	v30 =	vld.idx.msk [tilespmem:v58+s2+$0x0], $0xffff  }
0x111: {  	v60 =	vld.idx.msk [tilespmem:v59+s2+$0x0], $0xffff  }
0x112: {  	v33 =	vld.idx.msk [tilespmem:v31+s2+$0x0], $0xffff;
	_ =	sdelay $0x3  }
0x113: {  	v61 =	vmax.f32 v30, v60  }
0x114: {  	v35 =	vmax.f32 v61, v33  }
0x115: {  	v35 =	vmul.f32 v35, v25;
	_ =	sdelay $0x1  }
0x116: {  	v62 =	vmul.f32 $2.550000000e+02, v35;
	_ =	sdelay $0x1  }
0x117: {  	v36 =	vtrunc.f32 v62  }
0x118: {  	v36 =	vcvt.f32.s32 v36;
	_ =	sdelay $0x1  }
0x119: {  	vm12 =	vgt.s32 v36, $0x0  }
0x11a: {  	v36 =	vnsel vm12, $0x0, v36  }
0x11b: {  	v36 =	vmin.u32 v36, $0xFF  }
0x11c: {  	v63 =	vor.u32 v9, v36  }
0x11d: {  	v36 =	vor.u32 v10, v36;
	v44 =	vor.u32 s15, v63  }
0x11e: {  	v45 =	vor.u32 s15, v36;
	_ =	sdelay $0x1  }
0x11f: {  	v38 =	vor.u32 s16, v63;
	_ =	sdelay $0x1  }
0x120: {  	v36 =	vor.u32 s16, v36;
	v39 =	vld.idx.msk [tilespmem:v44+s10+$0x0], $0xffff  }
0x121: {  	v40 =	vld.idx.msk [tilespmem:v45+s10+$0x0], $0xffff;
	_ =	sdelay $0x1  }
0x122: {  	v38 =	vld.idx.msk [tilespmem:v38+s10+$0x0], $0xffff  }
0x123: {  	v46 =	vmul.f32 s17, v13;
	v47 =	vmul.f32 s17, v8  }
0x124: {  	v48 =	vmul.f32 s14, v13;
	(erf) = vrcp.f32 v35;
	v36 =	vld.idx.msk [tilespmem:v36+s10+$0x0], $0xffff  }
0x125: {  	v39 =	vmul.f32 v39, v46;
	v40 =	vmul.f32 v40, v47;
	_ =	sdelay $0x1  }
0x126: {  	v49 =	vmul.f32 s14, v8;
	v38 =	vmul.f32 v38, v48;
	v39 =	vadd.f32 v40, v39;
	_ =	sdelay $0x1  }
0x127: {  	v36 =	vmul.f32 v36, v49;
	v38 =	vadd.f32 v38, v39;
	_ =	sdelay $0x1  }
0x128: {  	v36 =	vadd.f32 v36, v38;
	_ =	sdelay $0x1  }
0x129: {  	v36 =	vmul.f32 v36, v25  }
0x12a: {  	v50 =	vpop (erf)  }
0x12b: {  	v38 =	vmul.f32 v36, v50;
	_ =	sdelay $0x1  }
0x12c: {  	v38 =	vmul.f32 $3.921568860e-03, v38;
	_ =	sdelay $0x1  }
0x12d: {  	v30 =	vmul.f32 v38, v30  }
0x12e: {  	v51 =	vadd.s32 v26, v29;
	vm13 =	vgt.f32 v35, $0.0e+00;
	v32 =	vmul.f32 v38, v60  }
0x12f: {  	v52 =	vadd.s32 v27, v29;
	v33 =	vmul.f32 v38, v33;
	v30 =	vsel vm13, v30, v36  }
0x130: {  	v29 =	vadd.s32 v28, v29;
	[tilespmem:v58+s11+$0x0] =	vst.idx.msk $0xffff, v30;
	v30 =	vsel vm13, v32, v36  }
0x131: {  	[tilespmem:v59+s11+$0x0] =	vst.idx.msk $0xffff, v30;
	v30 =	vsel vm13, v33, v36  }
0x132: {  	[tilespmem:v31+s11+$0x0] =	vst.idx.msk $0xffff, v30  }
0x133: {  	v30 =	vld.idx.msk [tilespmem:v51+s2+$0x0], $0xffff  }
0x134: {  	v31 =	vld.idx.msk [tilespmem:v52+s2+$0x0], $0xffff  }
0x135: {  	v53 =	vld.idx.msk [tilespmem:v29+s2+$0x0], $0xffff;
	_ =	sdelay $0x3  }
0x136: {  	v54 =	vmax.f32 v30, v31  }
0x137: {  	v33 =	vmax.f32 v54, v53  }
0x138: {  	v33 =	vmul.f32 v33, v25;
	_ =	sdelay $0x1  }
0x139: {  	v55 =	vmul.f32 $2.550000000e+02, v33;
	_ =	sdelay $0x1  }
0x13a: {  	v34 =	vtrunc.f32 v55  }
0x13b: {  	v34 =	vcvt.f32.s32 v34;
	_ =	sdelay $0x1  }
0x13c: {  	vm14 =	vgt.s32 v34, $0x0  }
0x13d: {  	v34 =	vnsel vm14, $0x0, v34  }
0x13e: {  	v34 =	vmin.u32 v34, $0xFF  }
0x13f: {  	v56 =	vor.u32 v14, v34  }
0x140: {  	v34 =	vor.u32 v15, v34;
	v57 =	vor.u32 s15, v56  }
0x141: {  	v58 =	vor.u32 s15, v34;
	_ =	sdelay $0x1  }
0x142: {  	v36 =	vor.u32 s16, v56;
	_ =	sdelay $0x1  }
0x143: {  	v34 =	vor.u32 s16, v34;
	v37 =	vld.idx.msk [tilespmem:v57+s10+$0x0], $0xffff  }
0x144: {  	v39 =	vld.idx.msk [tilespmem:v58+s10+$0x0], $0xffff;
	_ =	sdelay $0x1  }
0x145: {  	v36 =	vld.idx.msk [tilespmem:v36+s10+$0x0], $0xffff  }
0x146: {  	v60 =	vmul.f32 s17, v11;
	v59 =	vmul.f32 s17, v16  }
0x147: {  	v61 =	vmul.f32 s14, v16;
	(erf) = vrcp.f32 v33;
	v34 =	vld.idx.msk [tilespmem:v34+s10+$0x0], $0xffff  }
0x148: {  	v37 =	vmul.f32 v37, v59;
	v39 =	vmul.f32 v39, v60;
	_ =	sdelay $0x1  }
0x149: {  	v62 =	vmul.f32 s14, v11;
	v36 =	vmul.f32 v36, v61;
	v37 =	vadd.f32 v39, v37;
	_ =	sdelay $0x1  }
0x14a: {  	v34 =	vmul.f32 v34, v62;
	v36 =	vadd.f32 v36, v37;
	_ =	sdelay $0x1  }
0x14b: {  	v34 =	vadd.f32 v34, v36;
	_ =	sdelay $0x1  }
0x14c: {  	v34 =	vmul.f32 v34, v25  }
0x14d: {  	v63 =	vpop (erf)  }
0x14e: {  	v36 =	vmul.f32 v34, v63;
	_ =	sdelay $0x1  }
0x14f: {  	v36 =	vmul.f32 $3.921568860e-03, v36;
	_ =	sdelay $0x1  }
0x150: {  	p0 =	sne.s32 s13, $0x7F;
	v30 =	vmul.f32 v36, v30  }
.Ltmp3:
0x151: {  	vm15 =	vgt.f32 v33, $0.0e+00;
	v31 =	vmul.f32 v36, v31;
	(pc) =	sbr.rel @p0 .LBB2_8-.Ltmp3, $4  }
0x152: {  	v32 =	vmul.f32 v36, v53;
	v30 =	vsel vm15, v30, v34  }
0x153: {  	[tilespmem:v51+s11+$0x0] =	vst.idx.msk $0xffff, v30;
	v30 =	vsel vm15, v31, v34  }
0x154: {  	[tilespmem:v52+s11+$0x0] =	vst.idx.msk $0xffff, v30;
	v30 =	vsel vm15, v32, v34  }
0x155: {  	s13 =	sadd.s32 $0x1, s13;
	[tilespmem:v29+s11+$0x0] =	vst.idx.msk $0xffff, v30  }
0x156: {  	s12 =	sadd.s32 $0x1, s12  }
0x157: {  	p0 =	sne.s32 s12, s7  }
.Ltmp4:
0x158: {  	_ = 	snop;
	(pc) =	sbr.rel @p0 .LBB2_1-.Ltmp4, $4  }
0x159: {  	[hbm4b:s6+s8] =	stream.strided.scatter [tilespmem:s11], [sflag:$0x1], $0x6000, s9, s8, $0x38;
	[tilespmem:$0xF000] =	vst v63  }
0x15a: {  	_ =	swait.ge [sflag:s4], $0x6000  }
0x15b: {  	[sflag:s4] =	ssyncset.done $0x0  }
0x15c: {  	[sflag:s4] =	ssyncadd.s32 $0xFFFFA000  }
0x15d: {  	_ =	sfence.sel $0x180000  }
0x15e: {  	[bflag:$0x0] =	sbarrier.arrive $0xFFFF  }
0x15f: {  	p0 =	sne.s32 s0, $0x0;
	_ =	strace $0x9000004A  }
0x160: {  	s0 =	sadd.s32 @!p0 $0x100000, s1;
	[bflag:$0x2] =	sbarrier.arrive $0xFFFF  }
0x161: {  	[sflag:s0] =	ssyncadd.tile.s32 @!p0 $0x1;
	_ =	shalt  }
.Lfunc_end2:
_tile_overlayer_lowered:
.L_overlay_start_2:
0x162: {  	(tag) =	ssettag $0x2  }
0x163: {  	s0 =	rddreg [dreg:$0x0];
	s2 =	stileid.u32  }
0x164: {  	s1 =	rddreg [dreg:$0x1];
	p0 =	sne.s32 s2, $0x0  }
0x165: {  	s3 =	rddreg [dreg:$0x2];
	[bflag:$0x3] =	sbarrier.arrive $0xFFFF;
	s2 =	simm.s32 @!p0 $0x1C01  }
0x166: {  	[timem:s3], [sflag:s2] =	dma.local @!p0 [hbm:s0], s1  }
0x167: {  	s0 =	simm.s32 @!p0 $0x1  }
0x168: {  	_ =	swait.ge @!p0 [sflag:s0], s1  }
0x169: {  	s1 =	ssub.s32 @!p0 $0x0, s1;
	[sflag:s0] =	ssyncset.done @!p0 $0x0  }
0x16a: {  	[sflag:s0] =	ssyncadd.s32 @!p0 s1  }
0x16b: {  	[bflag:$0x3] =	sbarrier.arrive $0xFFFF  }
0x16c: {  	_ =	shalt  }

</sc_bundles>
